<compile_context>
chip_gen: v7x
topology: tpu7x:2x2x1
jax: 0.10.2.dev20260603
libtpu: 0.0.44.dev20260713+nightly
codegen_flags: <defaults>
</compile_context>

<pallas_src>
import functools

import jax
import jax.numpy as jnp
from jax import lax
from jax.experimental import pallas as pl
from jax.experimental.pallas import tpu as pltpu
from jax.experimental.pallas import tpu_sc as plsc

BATCH = 16384
EMBED_DIM = 128
LANES = 16
CHUNK = 128


def _build_sc_call():
    info = plsc.get_sparse_core_info()
    nc, ns = info.num_cores, info.num_subcores
    nw = nc * ns
    bpw = BATCH // nw
    n_chunks = bpw // CHUNK
    groups_per_chunk = CHUNK // LANES
    n_groups = bpw // LANES

    mesh = plsc.VectorSubcoreMesh(core_axis_name="c", subcore_axis_name="s")

    @functools.partial(
        pl.kernel,
        mesh=mesh,
        compiler_params=pltpu.CompilerParams(
            needs_layout_passes=False,
            disable_bounds_checks=True,
        ),
        out_type=jax.ShapeDtypeStruct((BATCH,), jnp.float32),
        scratch_types=[
            pltpu.VMEM((bpw,), jnp.int32),
            pltpu.VMEM((bpw,), jnp.int32),
            pltpu.VMEM((bpw,), jnp.float32),
            pltpu.VMEM((bpw,), jnp.float32),
            pltpu.VMEM((1,), jnp.float32),
            pltpu.VMEM((CHUNK, EMBED_DIM), jnp.float32),
            pltpu.VMEM((CHUNK, EMBED_DIM), jnp.float32),
            pltpu.VMEM((CHUNK, EMBED_DIM), jnp.float32),
            pltpu.VMEM((CHUNK, EMBED_DIM), jnp.float32),
            pltpu.VMEM((CHUNK // LANES, LANES, LANES), jnp.float32),
            pltpu.VMEM((bpw,), jnp.float32),
            pltpu.SemaphoreType.DMA,
            pltpu.SemaphoreType.DMA,
            pltpu.SemaphoreType.DMA,
        ],
    )
    def sc_call(uidx_hbm, iidx_hbm, utab_hbm, itab_hbm, ubias_hbm, ibias_hbm,
                gbias_hbm, out_hbm, uidx_v, iidx_v, ub_v, ib_v, gb1,
                urows0, urows1, irows0, irows1, accbuf, out_v,
                sem0, sem1, sem_b):
        wid = lax.axis_index("s") * nc + lax.axis_index("c")
        base = wid * bpw

        pltpu.sync_copy(uidx_hbm.at[pl.ds(base, bpw)], uidx_v)
        pltpu.sync_copy(iidx_hbm.at[pl.ds(base, bpw)], iidx_v)
        pltpu.sync_copy(gbias_hbm, gb1)
        cb_u = pltpu.async_copy(ubias_hbm.at[0].at[uidx_v], ub_v, sem_b)
        cb_i = pltpu.async_copy(ibias_hbm.at[0].at[iidx_v], ib_v, sem_b)

        ubufs = (urows0, urows1)
        ibufs = (irows0, irows1)
        sems = (sem0, sem1)
        lane = lax.iota(jnp.int32, LANES)
        last_lane = lane == (LANES - 1)
        zero16 = jnp.zeros((LANES,), jnp.int32)

        def fire(c):
            p = c % 2
            cu = pltpu.async_copy(
                utab_hbm.at[uidx_v.at[pl.ds(c * CHUNK, CHUNK)]], ubufs[p],
                sems[p])
            ci = pltpu.async_copy(
                itab_hbm.at[iidx_v.at[pl.ds(c * CHUNK, CHUNK)]], ibufs[p],
                sems[p])
            return cu, ci

        inflight = fire(0)
        for c in range(n_chunks):
            nxt = fire(c + 1) if c + 1 < n_chunks else None
            inflight[0].wait()
            inflight[1].wait()
            ur, ir = ubufs[c % 2], ibufs[c % 2]

            @plsc.parallel_loop(0, groups_per_chunk, 1)
            def group_body(g, ur=ur, ir=ir, c=c):
                out_base = pl.multiple_of(
                    (c * groups_per_chunk + g) * LANES, LANES)
                s0 = g * LANES

                @plsc.parallel_loop(0, LANES, 1, unroll=2)
                def sample_body(sl):
                    s = s0 + sl
                    acc = ur[s, pl.ds(0, LANES)] * ir[s, pl.ds(0, LANES)]
                    for j in range(1, EMBED_DIM // LANES):
                        acc = acc + (ur[s, pl.ds(j * LANES, LANES)]
                                     * ir[s, pl.ds(j * LANES, LANES)])
                    accbuf[g, sl, :] = acc

                gfull = jnp.full((LANES,), 0, jnp.int32) + g
                vecs = [plsc.load_gather(
                            accbuf,
                            [gfull, lane, jnp.full((LANES,), j, jnp.int32)])
                        for j in range(LANES)]
                while len(vecs) > 1:
                    vecs = [vecs[i] + vecs[i + 1]
                            for i in range(0, len(vecs), 2)]
                out_v[pl.ds(out_base, LANES)] = vecs[0]
            inflight = nxt

        cb_u.wait()
        cb_i.wait()
        gb = plsc.load_gather(gb1, [zero16])
        for r in range(n_groups):
            out_v[pl.ds(r * LANES, LANES)] = (
                out_v[pl.ds(r * LANES, LANES)] + ub_v[pl.ds(r * LANES, LANES)]
                + ib_v[pl.ds(r * LANES, LANES)] + gb)
        pltpu.sync_copy(out_v, out_hbm.at[pl.ds(base, bpw)])

    return sc_call


def kernel(user_idx, item_idx, user_table, item_table, user_bias, item_bias,
           global_bias):
    uidx = user_idx.astype(jnp.int32)
    iidx = item_idx.astype(jnp.int32)
    return _build_sc_call()(uidx, iidx, user_table, item_table,
                            user_bias.T, item_bias.T, global_bias)

# --- scband reference (transcript-rebuilt; emitter-appended) ---
"""Pipeline reference for scband-matrix-factorization-65609920413780 (READ-ONLY COPY).

The authoritative reference and input builder live on the scoring server;
editing this copy changes nothing except your own understanding.
"""

import jax, jax.numpy as jnp
import numpy as np

N_USERS = 100000
N_ITEMS = 100000
EMBED_DIM = 128
BATCH = 16384


def setup_inputs(seed: int = 0) -> dict:
    key = jax.random.key(seed)
    k1, k2, k3, k4 = jax.random.split(key, 4)
    user_idx = jax.random.randint(k1, (BATCH,), 0, N_USERS, dtype=jnp.int64 if jax.config.jax_enable_x64 else jnp.int32)
    item_idx = jax.random.randint(k2, (BATCH,), 0, N_ITEMS, dtype=jnp.int64 if jax.config.jax_enable_x64 else jnp.int32)
    user_table = jax.random.normal(k3, (N_USERS, EMBED_DIM), dtype=jnp.float32) * 0.01
    item_table = jax.random.normal(k4, (N_ITEMS, EMBED_DIM), dtype=jnp.float32) * 0.01
    user_bias = jnp.zeros((N_USERS, 1), dtype=jnp.float32)
    item_bias = jnp.zeros((N_ITEMS, 1), dtype=jnp.float32)
    global_bias = jnp.zeros((1,), dtype=jnp.float32)
    return {
        "user_idx": user_idx,
        "item_idx": item_idx,
        "user_table": user_table,
        "item_table": item_table,
        "user_bias": user_bias,
        "item_bias": item_bias,
        "global_bias": global_bias,
    }


def reference(user_idx, item_idx, user_table, item_table, user_bias, item_bias, global_bias):
    user_emb = jnp.take(user_table, user_idx, axis=0)          # [B, D]
    item_emb = jnp.take(item_table, item_idx, axis=0)          # [B, D]
    dot_product = jnp.sum(user_emb * item_emb, axis=1)          # [B]
    user_b = jnp.take(user_bias, user_idx, axis=0).squeeze()    # [B]
    item_b = jnp.take(item_bias, item_idx, axis=0).squeeze()    # [B]
    return dot_product + user_b + item_b + global_bias

if __name__ == "__main__":
    import jax
    _d = setup_inputs()
    print(jax.jit(kernel)(*tuple(_d.values())))

</pallas_src>

<mosaic_0001>
#map = affine_map<(d0, d1) -> (0)>
#map1 = affine_map<(d0, d1) -> (0, 0)>
module attributes {stable_mosaic.version = 14 : i64} {
  func.func @sc_call(%arg0: i32, %arg1: i32, %arg2: memref<16384xi32, #tpu.memory_space<hbm>>, %arg3: memref<16384xi32, #tpu.memory_space<hbm>>, %arg4: memref<100000x128xf32, #tpu.memory_space<hbm>>, %arg5: memref<100000x128xf32, #tpu.memory_space<hbm>>, %arg6: memref<1x100000xf32, #tpu.memory_space<hbm>>, %arg7: memref<1x100000xf32, #tpu.memory_space<hbm>>, %arg8: memref<1xf32, #tpu.memory_space<hbm>>, %arg9: memref<16384xf32, #tpu.memory_space<hbm>>, %arg10: memref<512xi32, #tpu.memory_space<vmem>>, %arg11: memref<512xi32, #tpu.memory_space<vmem>>, %arg12: memref<512xf32, #tpu.memory_space<vmem>>, %arg13: memref<512xf32, #tpu.memory_space<vmem>>, %arg14: memref<1xf32, #tpu.memory_space<vmem>>, %arg15: memref<128x128xf32, #tpu.memory_space<vmem>>, %arg16: memref<128x128xf32, #tpu.memory_space<vmem>>, %arg17: memref<128x128xf32, #tpu.memory_space<vmem>>, %arg18: memref<128x128xf32, #tpu.memory_space<vmem>>, %arg19: memref<8x16x16xf32, #tpu.memory_space<vmem>>, %arg20: memref<512xf32, #tpu.memory_space<vmem>>, %arg21: memref<!tpu.dma_semaphore, #tpu.memory_space<semaphore_mem>>, %arg22: memref<!tpu.dma_semaphore, #tpu.memory_space<semaphore_mem>>, %arg23: memref<!tpu.dma_semaphore, #tpu.memory_space<semaphore_mem>>) attributes {dimension_semantics = [#tpu.dimension_semantics<core_parallel>, #tpu.dimension_semantics<subcore_parallel>], iteration_bounds = array<i64: 2, 16>, scalar_prefetch = 0 : i64, scratch_operands = 14 : i64, tpu.core_type = #tpu.core_type<sc_vector_subcore>, window_params = [{transform_indices = #map}, {transform_indices = #map}, {transform_indices = #map1}, {transform_indices = #map1}, {transform_indices = #map1}, {transform_indices = #map1}, {transform_indices = #map}, {transform_indices = #map}]} {
    %mul3A = arith.constant 2 : i32
    %mul3A_0 = arith.muli %arg1, %mul3A : i32
    %add3A = arith.addi %mul3A_0, %arg0 : i32
    %mul3A_1 = arith.constant 512 : i32
    %mul3A_2 = arith.muli %add3A, %mul3A_1 : i32
    "tpu.region"() ({
      %run_scoped3A = tpu.sem_alloc : memref<!tpu.dma_semaphore, #tpu.memory_space<semaphore_mem>>
      %dma_start3A_469 = tpu.memref_slice %arg2[%mul3A_2] : memref<16384xi32, #tpu.memory_space<hbm>> -> memref<512xi32, #tpu.memory_space<hbm>>
      %dma_start3A_470 = tpu.memref_slice %arg2[%mul3A_2] : memref<16384xi32, #tpu.memory_space<hbm>> -> memref<512xi32, #tpu.memory_space<hbm>>
      tpu.enqueue_dma source(%dma_start3A_470 : memref<512xi32, #tpu.memory_space<hbm>>) target(%arg10 : memref<512xi32, #tpu.memory_space<vmem>>) target_semaphore(%run_scoped3A : memref<!tpu.dma_semaphore, #tpu.memory_space<semaphore_mem>>)
      %dma_wait3A_471 = tpu.memref_slice %arg2[%mul3A_2] : memref<16384xi32, #tpu.memory_space<hbm>> -> memref<512xi32, #tpu.memory_space<hbm>>
      %dma_wait3A_472 = tpu.memref_slice %arg2[%mul3A_2] : memref<16384xi32, #tpu.memory_space<hbm>> -> memref<512xi32, #tpu.memory_space<hbm>>
      tpu.wait_dma2 semaphore(%run_scoped3A : memref<!tpu.dma_semaphore, #tpu.memory_space<semaphore_mem>>) src(%dma_wait3A_472 : memref<512xi32, #tpu.memory_space<hbm>>) dst(%arg10 : memref<512xi32, #tpu.memory_space<vmem>>)
      tpu.yield
    }) : () -> ()
    "tpu.region"() ({
      %run_scoped3A = tpu.sem_alloc : memref<!tpu.dma_semaphore, #tpu.memory_space<semaphore_mem>>
      %dma_start3A_469 = tpu.memref_slice %arg3[%mul3A_2] : memref<16384xi32, #tpu.memory_space<hbm>> -> memref<512xi32, #tpu.memory_space<hbm>>
      %dma_start3A_470 = tpu.memref_slice %arg3[%mul3A_2] : memref<16384xi32, #tpu.memory_space<hbm>> -> memref<512xi32, #tpu.memory_space<hbm>>
      tpu.enqueue_dma source(%dma_start3A_470 : memref<512xi32, #tpu.memory_space<hbm>>) target(%arg11 : memref<512xi32, #tpu.memory_space<vmem>>) target_semaphore(%run_scoped3A : memref<!tpu.dma_semaphore, #tpu.memory_space<semaphore_mem>>)
      %dma_wait3A_471 = tpu.memref_slice %arg3[%mul3A_2] : memref<16384xi32, #tpu.memory_space<hbm>> -> memref<512xi32, #tpu.memory_space<hbm>>
      %dma_wait3A_472 = tpu.memref_slice %arg3[%mul3A_2] : memref<16384xi32, #tpu.memory_space<hbm>> -> memref<512xi32, #tpu.memory_space<hbm>>
      tpu.wait_dma2 semaphore(%run_scoped3A : memref<!tpu.dma_semaphore, #tpu.memory_space<semaphore_mem>>) src(%dma_wait3A_472 : memref<512xi32, #tpu.memory_space<hbm>>) dst(%arg11 : memref<512xi32, #tpu.memory_space<vmem>>)
      tpu.yield
    }) : () -> ()
    "tpu.region"() ({
      %run_scoped3A = tpu.sem_alloc : memref<!tpu.dma_semaphore, #tpu.memory_space<semaphore_mem>>
      tpu.enqueue_dma source(%arg8 : memref<1xf32, #tpu.memory_space<hbm>>) target(%arg14 : memref<1xf32, #tpu.memory_space<vmem>>) target_semaphore(%run_scoped3A : memref<!tpu.dma_semaphore, #tpu.memory_space<semaphore_mem>>)
      tpu.wait_dma2 semaphore(%run_scoped3A : memref<!tpu.dma_semaphore, #tpu.memory_space<semaphore_mem>>) src(%arg8 : memref<1xf32, #tpu.memory_space<hbm>>) dst(%arg14 : memref<1xf32, #tpu.memory_space<vmem>>)
      tpu.yield
    }) : () -> ()
    %dma_start3A = arith.constant 0 : i32
    %dma_start3A_3 = arith.constant 0 : i32
    %dma_start3A_4 = tpu.memref_slice %arg6[%dma_start3A, %dma_start3A_3] : memref<1x100000xf32, #tpu.memory_space<hbm>> -> memref<1x100000xf32, #tpu.memory_space<hbm>>
    %dma_start3A_5 = tpu.memref_squeeze %dma_start3A_4 : memref<1x100000xf32, #tpu.memory_space<hbm>> -> memref<100000xf32, #tpu.memory_space<hbm>>
    %dma_start3A_6 = arith.constant 0 : i32
    %dma_start3A_7 = tpu.memref_slice %dma_start3A_5[%dma_start3A_6] : memref<100000xf32, #tpu.memory_space<hbm>> -> memref<100000xf32, #tpu.memory_space<hbm>>
    tpu.enqueue_indirect_dma source(%dma_start3A_7 : memref<100000xf32, #tpu.memory_space<hbm>>) target(%arg12 : memref<512xf32, #tpu.memory_space<vmem>>) offsets(%arg10 : memref<512xi32, #tpu.memory_space<vmem>>) semaphore(%arg23 : memref<!tpu.dma_semaphore, #tpu.memory_space<semaphore_mem>>)
    %dma_start3A_8 = arith.constant 0 : i32
    %dma_start3A_9 = arith.constant 0 : i32
    %dma_start3A_10 = tpu.memref_slice %arg7[%dma_start3A_8, %dma_start3A_9] : memref<1x100000xf32, #tpu.memory_space<hbm>> -> memref<1x100000xf32, #tpu.memory_space<hbm>>
    %dma_start3A_11 = tpu.memref_squeeze %dma_start3A_10 : memref<1x100000xf32, #tpu.memory_space<hbm>> -> memref<100000xf32, #tpu.memory_space<hbm>>
    %dma_start3A_12 = arith.constant 0 : i32
    %dma_start3A_13 = tpu.memref_slice %dma_start3A_11[%dma_start3A_12] : memref<100000xf32, #tpu.memory_space<hbm>> -> memref<100000xf32, #tpu.memory_space<hbm>>
    tpu.enqueue_indirect_dma source(%dma_start3A_13 : memref<100000xf32, #tpu.memory_space<hbm>>) target(%arg13 : memref<512xf32, #tpu.memory_space<vmem>>) offsets(%arg11 : memref<512xi32, #tpu.memory_space<vmem>>) semaphore(%arg23 : memref<!tpu.dma_semaphore, #tpu.memory_space<semaphore_mem>>)
    %iota3A = tpu.iota {dimensions = array<i32: 0>} : vector<16xi32>
    %eq3A = arith.constant 15 : i32
    %eq3A_14 = vector.broadcast %eq3A : i32 to vector<16xi32>
    %eq3A_15 = arith.cmpi eq, %iota3A, %eq3A_14 : vector<16xi32>
    %broadcast_in_dim3A = arith.constant 0 : i32
    %broadcast_in_dim3A_16 = vector.broadcast %broadcast_in_dim3A : i32 to vector<16xi32>
    %dma_start3A_17 = arith.constant 0 : i32
    %dma_start3A_18 = tpu.memref_slice %arg10[%dma_start3A_17] : memref<512xi32, #tpu.memory_space<vmem>> -> memref<128xi32, #tpu.memory_space<vmem>>
    %dma_start3A_19 = arith.constant 0 : i32
    %dma_start3A_20 = arith.constant 0 : i32
    %dma_start3A_21 = tpu.memref_slice %arg4[%dma_start3A_19, %dma_start3A_20] : memref<100000x128xf32, #tpu.memory_space<hbm>> -> memref<100000x128xf32, #tpu.memory_space<hbm>>
    tpu.enqueue_indirect_dma source(%dma_start3A_21 : memref<100000x128xf32, #tpu.memory_space<hbm>>) target(%arg15 : memref<128x128xf32, #tpu.memory_space<vmem>>) offsets(%dma_start3A_18 : memref<128xi32, #tpu.memory_space<vmem>>) semaphore(%arg21 : memref<!tpu.dma_semaphore, #tpu.memory_space<semaphore_mem>>)
    %dma_start3A_22 = arith.constant 0 : i32
    %dma_start3A_23 = tpu.memref_slice %arg11[%dma_start3A_22] : memref<512xi32, #tpu.memory_space<vmem>> -> memref<128xi32, #tpu.memory_space<vmem>>
    %dma_start3A_24 = arith.constant 0 : i32
    %dma_start3A_25 = arith.constant 0 : i32
    %dma_start3A_26 = tpu.memref_slice %arg5[%dma_start3A_24, %dma_start3A_25] : memref<100000x128xf32, #tpu.memory_space<hbm>> -> memref<100000x128xf32, #tpu.memory_space<hbm>>
    tpu.enqueue_indirect_dma source(%dma_start3A_26 : memref<100000x128xf32, #tpu.memory_space<hbm>>) target(%arg17 : memref<128x128xf32, #tpu.memory_space<vmem>>) offsets(%dma_start3A_23 : memref<128xi32, #tpu.memory_space<vmem>>) semaphore(%arg21 : memref<!tpu.dma_semaphore, #tpu.memory_space<semaphore_mem>>)
    %dma_start3A_27 = arith.constant 128 : i32
    %dma_start3A_28 = tpu.memref_slice %arg10[%dma_start3A_27] : memref<512xi32, #tpu.memory_space<vmem>> -> memref<128xi32, #tpu.memory_space<vmem>>
    %dma_start3A_29 = arith.constant 0 : i32
    %dma_start3A_30 = arith.constant 0 : i32
    %dma_start3A_31 = tpu.memref_slice %arg4[%dma_start3A_29, %dma_start3A_30] : memref<100000x128xf32, #tpu.memory_space<hbm>> -> memref<100000x128xf32, #tpu.memory_space<hbm>>
    tpu.enqueue_indirect_dma source(%dma_start3A_31 : memref<100000x128xf32, #tpu.memory_space<hbm>>) target(%arg16 : memref<128x128xf32, #tpu.memory_space<vmem>>) offsets(%dma_start3A_28 : memref<128xi32, #tpu.memory_space<vmem>>) semaphore(%arg22 : memref<!tpu.dma_semaphore, #tpu.memory_space<semaphore_mem>>)
    %dma_start3A_32 = arith.constant 128 : i32
    %dma_start3A_33 = tpu.memref_slice %arg11[%dma_start3A_32] : memref<512xi32, #tpu.memory_space<vmem>> -> memref<128xi32, #tpu.memory_space<vmem>>
    %dma_start3A_34 = arith.constant 0 : i32
    %dma_start3A_35 = arith.constant 0 : i32
    %dma_start3A_36 = tpu.memref_slice %arg5[%dma_start3A_34, %dma_start3A_35] : memref<100000x128xf32, #tpu.memory_space<hbm>> -> memref<100000x128xf32, #tpu.memory_space<hbm>>
    tpu.enqueue_indirect_dma source(%dma_start3A_36 : memref<100000x128xf32, #tpu.memory_space<hbm>>) target(%arg18 : memref<128x128xf32, #tpu.memory_space<vmem>>) offsets(%dma_start3A_33 : memref<128xi32, #tpu.memory_space<vmem>>) semaphore(%arg22 : memref<!tpu.dma_semaphore, #tpu.memory_space<semaphore_mem>>)
    %dma_wait3A = arith.constant 0 : i32
    %dma_wait3A_37 = tpu.memref_slice %arg10[%dma_wait3A] : memref<512xi32, #tpu.memory_space<vmem>> -> memref<128xi32, #tpu.memory_space<vmem>>
    %dma_wait3A_38 = arith.constant 0 : i32
    %dma_wait3A_39 = arith.constant 0 : i32
    %dma_wait3A_40 = tpu.memref_slice %arg4[%dma_wait3A_38, %dma_wait3A_39] : memref<100000x128xf32, #tpu.memory_space<hbm>> -> memref<100000x128xf32, #tpu.memory_space<hbm>>
    tpu.wait_indirect_dma semaphore(%arg21 : memref<!tpu.dma_semaphore, #tpu.memory_space<semaphore_mem>>) src(%dma_wait3A_40 : memref<100000x128xf32, #tpu.memory_space<hbm>>) dst(%arg15 : memref<128x128xf32, #tpu.memory_space<vmem>>)
    %dma_wait3A_41 = arith.constant 0 : i32
    %dma_wait3A_42 = tpu.memref_slice %arg11[%dma_wait3A_41] : memref<512xi32, #tpu.memory_space<vmem>> -> memref<128xi32, #tpu.memory_space<vmem>>
    %dma_wait3A_43 = arith.constant 0 : i32
    %dma_wait3A_44 = arith.constant 0 : i32
    %dma_wait3A_45 = tpu.memref_slice %arg5[%dma_wait3A_43, %dma_wait3A_44] : memref<100000x128xf32, #tpu.memory_space<hbm>> -> memref<100000x128xf32, #tpu.memory_space<hbm>>
    tpu.wait_indirect_dma semaphore(%arg21 : memref<!tpu.dma_semaphore, #tpu.memory_space<semaphore_mem>>) src(%dma_wait3A_45 : memref<100000x128xf32, #tpu.memory_space<hbm>>) dst(%arg17 : memref<128x128xf32, #tpu.memory_space<vmem>>)
    %parallel_loop3A = arith.constant 0 : i32
    %parallel_loop3A_46 = arith.constant 8 : i32
    %parallel_loop3A_47 = arith.constant 1 : i32
    scf.for %parallel_loop3A_469 = %parallel_loop3A to %parallel_loop3A_46 step %parallel_loop3A_47  : i32 {
      %parallel_loop3A_470 = arith.constant 0 : i32
      %parallel_loop3A_471 = arith.addi %parallel_loop3A_470, %parallel_loop3A_469 : i32
      %parallel_loop3A_472 = arith.constant 16 : i32
      %parallel_loop3A_473 = arith.muli %parallel_loop3A_471, %parallel_loop3A_472 : i32
      %parallel_loop3A_474 = tpu.assume_multiple %parallel_loop3A_473, 16 : i32
      %parallel_loop3A_475 = arith.constant 16 : i32
      %parallel_loop3A_476 = arith.muli %parallel_loop3A_469, %parallel_loop3A_475 : i32
      %parallel_loop3A_477 = arith.constant 0 : i32
      %parallel_loop3A_478 = arith.constant 16 : i32
      %parallel_loop3A_479 = arith.constant 1 : i32
      scf.for %parallel_loop3A_549 = %parallel_loop3A_477 to %parallel_loop3A_478 step %parallel_loop3A_479  : i32 {
        %parallel_loop3A_550 = arith.addi %parallel_loop3A_476, %parallel_loop3A_549 : i32
        %parallel_loop3A_551 = arith.index_cast %parallel_loop3A_550 : i32 to index
        %parallel_loop3A_552 = arith.constant 0 : index
        %parallel_loop3A_553 = tpu.vector_load %arg15[%parallel_loop3A_551, %parallel_loop3A_552] {strides = array<i32>} : memref<128x128xf32, #tpu.memory_space<vmem>>, vector<16xf32>,
        %parallel_loop3A_554 = arith.index_cast %parallel_loop3A_550 : i32 to index
        %parallel_loop3A_555 = arith.constant 0 : index
        %parallel_loop3A_556 = tpu.vector_load %arg17[%parallel_loop3A_554, %parallel_loop3A_555] {strides = array<i32>} : memref<128x128xf32, #tpu.memory_space<vmem>>, vector<16xf32>,
        %parallel_loop3A_557 = arith.mulf %parallel_loop3A_553, %parallel_loop3A_556 : vector<16xf32>
        %parallel_loop3A_558 = arith.index_cast %parallel_loop3A_550 : i32 to index
        %parallel_loop3A_559 = arith.constant 16 : index
        %parallel_loop3A_560 = tpu.vector_load %arg15[%parallel_loop3A_558, %parallel_loop3A_559] {strides = array<i32>} : memref<128x128xf32, #tpu.memory_space<vmem>>, vector<16xf32>,
        %parallel_loop3A_561 = arith.index_cast %parallel_loop3A_550 : i32 to index
        %parallel_loop3A_562 = arith.constant 16 : index
        %parallel_loop3A_563 = tpu.vector_load %arg17[%parallel_loop3A_561, %parallel_loop3A_562] {strides = array<i32>} : memref<128x128xf32, #tpu.memory_space<vmem>>, vector<16xf32>,
        %parallel_loop3A_564 = arith.mulf %parallel_loop3A_560, %parallel_loop3A_563 : vector<16xf32>
        %parallel_loop3A_565 = arith.addf %parallel_loop3A_557, %parallel_loop3A_564 : vector<16xf32>
        %parallel_loop3A_566 = arith.index_cast %parallel_loop3A_550 : i32 to index
        %parallel_loop3A_567 = arith.constant 32 : index
        %parallel_loop3A_568 = tpu.vector_load %arg15[%parallel_loop3A_566, %parallel_loop3A_567] {strides = array<i32>} : memref<128x128xf32, #tpu.memory_space<vmem>>, vector<16xf32>,
        %parallel_loop3A_569 = arith.index_cast %parallel_loop3A_550 : i32 to index
        %parallel_loop3A_570 = arith.constant 32 : index
        %parallel_loop3A_571 = tpu.vector_load %arg17[%parallel_loop3A_569, %parallel_loop3A_570] {strides = array<i32>} : memref<128x128xf32, #tpu.memory_space<vmem>>, vector<16xf32>,
        %parallel_loop3A_572 = arith.mulf %parallel_loop3A_568, %parallel_loop3A_571 : vector<16xf32>
        %parallel_loop3A_573 = arith.addf %parallel_loop3A_565, %parallel_loop3A_572 : vector<16xf32>
        %parallel_loop3A_574 = arith.index_cast %parallel_loop3A_550 : i32 to index
        %parallel_loop3A_575 = arith.constant 48 : index
        %parallel_loop3A_576 = tpu.vector_load %arg15[%parallel_loop3A_574, %parallel_loop3A_575] {strides = array<i32>} : memref<128x128xf32, #tpu.memory_space<vmem>>, vector<16xf32>,
        %parallel_loop3A_577 = arith.index_cast %parallel_loop3A_550 : i32 to index
        %parallel_loop3A_578 = arith.constant 48 : index
        %parallel_loop3A_579 = tpu.vector_load %arg17[%parallel_loop3A_577, %parallel_loop3A_578] {strides = array<i32>} : memref<128x128xf32, #tpu.memory_space<vmem>>, vector<16xf32>,
        %parallel_loop3A_580 = arith.mulf %parallel_loop3A_576, %parallel_loop3A_579 : vector<16xf32>
        %parallel_loop3A_581 = arith.addf %parallel_loop3A_573, %parallel_loop3A_580 : vector<16xf32>
        %parallel_loop3A_582 = arith.index_cast %parallel_loop3A_550 : i32 to index
        %parallel_loop3A_583 = arith.constant 64 : index
        %parallel_loop3A_584 = tpu.vector_load %arg15[%parallel_loop3A_582, %parallel_loop3A_583] {strides = array<i32>} : memref<128x128xf32, #tpu.memory_space<vmem>>, vector<16xf32>,
        %parallel_loop3A_585 = arith.index_cast %parallel_loop3A_550 : i32 to index
        %parallel_loop3A_586 = arith.constant 64 : index
        %parallel_loop3A_587 = tpu.vector_load %arg17[%parallel_loop3A_585, %parallel_loop3A_586] {strides = array<i32>} : memref<128x128xf32, #tpu.memory_space<vmem>>, vector<16xf32>,
        %parallel_loop3A_588 = arith.mulf %parallel_loop3A_584, %parallel_loop3A_587 : vector<16xf32>
        %parallel_loop3A_589 = arith.addf %parallel_loop3A_581, %parallel_loop3A_588 : vector<16xf32>
        %parallel_loop3A_590 = arith.index_cast %parallel_loop3A_550 : i32 to index
        %parallel_loop3A_591 = arith.constant 80 : index
        %parallel_loop3A_592 = tpu.vector_load %arg15[%parallel_loop3A_590, %parallel_loop3A_591] {strides = array<i32>} : memref<128x128xf32, #tpu.memory_space<vmem>>, vector<16xf32>,
        %parallel_loop3A_593 = arith.index_cast %parallel_loop3A_550 : i32 to index
        %parallel_loop3A_594 = arith.constant 80 : index
        %parallel_loop3A_595 = tpu.vector_load %arg17[%parallel_loop3A_593, %parallel_loop3A_594] {strides = array<i32>} : memref<128x128xf32, #tpu.memory_space<vmem>>, vector<16xf32>,
        %parallel_loop3A_596 = arith.mulf %parallel_loop3A_592, %parallel_loop3A_595 : vector<16xf32>
        %parallel_loop3A_597 = arith.addf %parallel_loop3A_589, %parallel_loop3A_596 : vector<16xf32>
        %parallel_loop3A_598 = arith.index_cast %parallel_loop3A_550 : i32 to index
        %parallel_loop3A_599 = arith.constant 96 : index
        %parallel_loop3A_600 = tpu.vector_load %arg15[%parallel_loop3A_598, %parallel_loop3A_599] {strides = array<i32>} : memref<128x128xf32, #tpu.memory_space<vmem>>, vector<16xf32>,
        %parallel_loop3A_601 = arith.index_cast %parallel_loop3A_550 : i32 to index
        %parallel_loop3A_602 = arith.constant 96 : index
        %parallel_loop3A_603 = tpu.vector_load %arg17[%parallel_loop3A_601, %parallel_loop3A_602] {strides = array<i32>} : memref<128x128xf32, #tpu.memory_space<vmem>>, vector<16xf32>,
        %parallel_loop3A_604 = arith.mulf %parallel_loop3A_600, %parallel_loop3A_603 : vector<16xf32>
        %parallel_loop3A_605 = arith.addf %parallel_loop3A_597, %parallel_loop3A_604 : vector<16xf32>
        %parallel_loop3A_606 = arith.index_cast %parallel_loop3A_550 : i32 to index
        %parallel_loop3A_607 = arith.constant 112 : index
        %parallel_loop3A_608 = tpu.vector_load %arg15[%parallel_loop3A_606, %parallel_loop3A_607] {strides = array<i32>} : memref<128x128xf32, #tpu.memory_space<vmem>>, vector<16xf32>,
        %parallel_loop3A_609 = arith.index_cast %parallel_loop3A_550 : i32 to index
        %parallel_loop3A_610 = arith.constant 112 : index
        %parallel_loop3A_611 = tpu.vector_load %arg17[%parallel_loop3A_609, %parallel_loop3A_610] {strides = array<i32>} : memref<128x128xf32, #tpu.memory_space<vmem>>, vector<16xf32>,
        %parallel_loop3A_612 = arith.mulf %parallel_loop3A_608, %parallel_loop3A_611 : vector<16xf32>
        %parallel_loop3A_613 = arith.addf %parallel_loop3A_605, %parallel_loop3A_612 : vector<16xf32>
        %parallel_loop3A_614 = arith.index_cast %parallel_loop3A_469 : i32 to index
        %parallel_loop3A_615 = arith.index_cast %parallel_loop3A_549 : i32 to index
        %parallel_loop3A_616 = arith.constant 0 : index
        %parallel_loop3A_617 = tpu.vector_load %arg19[%parallel_loop3A_614, %parallel_loop3A_615, %parallel_loop3A_616] {strides = array<i32>} : memref<8x16x16xf32, #tpu.memory_space<vmem>>, vector<16xf32>,
        tpu.vector_store %arg19[%parallel_loop3A_614, %parallel_loop3A_615, %parallel_loop3A_616], %parallel_loop3A_613 {strides = array<i32>} : memref<8x16x16xf32, #tpu.memory_space<vmem>>, vector<16xf32>,
      } {sc.loop_unroll_factor = 2 : i64, sc.parallel_access}
      %parallel_loop3A_480 = arith.constant 0 : i32
      %parallel_loop3A_481 = vector.broadcast %parallel_loop3A_480 : i32 to vector<16xi32>
      %parallel_loop3A_482 = vector.broadcast %parallel_loop3A_469 : i32 to vector<16xi32>
      %parallel_loop3A_483 = arith.addi %parallel_loop3A_481, %parallel_loop3A_482 : vector<16xi32>
      %parallel_loop3A_484 = arith.constant 0 : i32
      %parallel_loop3A_485 = vector.broadcast %parallel_loop3A_484 : i32 to vector<16xi32>
      %parallel_loop3A_486 = tpu.vector_load_idx %arg19[%parallel_loop3A_483, %iota3A, %parallel_loop3A_485] : memref<8x16x16xf32, #tpu.memory_space<vmem>>[vector<16xi32>, vector<16xi32>, vector<16xi32>], vector<16xf32>,
      %parallel_loop3A_487 = arith.constant 1 : i32
      %parallel_loop3A_488 = vector.broadcast %parallel_loop3A_487 : i32 to vector<16xi32>
      %parallel_loop3A_489 = tpu.vector_load_idx %arg19[%parallel_loop3A_483, %iota3A, %parallel_loop3A_488] : memref<8x16x16xf32, #tpu.memory_space<vmem>>[vector<16xi32>, vector<16xi32>, vector<16xi32>], vector<16xf32>,
      %parallel_loop3A_490 = arith.constant 2 : i32
      %parallel_loop3A_491 = vector.broadcast %parallel_loop3A_490 : i32 to vector<16xi32>
      %parallel_loop3A_492 = tpu.vector_load_idx %arg19[%parallel_loop3A_483, %iota3A, %parallel_loop3A_491] : memref<8x16x16xf32, #tpu.memory_space<vmem>>[vector<16xi32>, vector<16xi32>, vector<16xi32>], vector<16xf32>,
      %parallel_loop3A_493 = arith.constant 3 : i32
      %parallel_loop3A_494 = vector.broadcast %parallel_loop3A_493 : i32 to vector<16xi32>
      %parallel_loop3A_495 = tpu.vector_load_idx %arg19[%parallel_loop3A_483, %iota3A, %parallel_loop3A_494] : memref<8x16x16xf32, #tpu.memory_space<vmem>>[vector<16xi32>, vector<16xi32>, vector<16xi32>], vector<16xf32>,
      %parallel_loop3A_496 = arith.constant 4 : i32
      %parallel_loop3A_497 = vector.broadcast %parallel_loop3A_496 : i32 to vector<16xi32>
      %parallel_loop3A_498 = tpu.vector_load_idx %arg19[%parallel_loop3A_483, %iota3A, %parallel_loop3A_497] : memref<8x16x16xf32, #tpu.memory_space<vmem>>[vector<16xi32>, vector<16xi32>, vector<16xi32>], vector<16xf32>,
      %parallel_loop3A_499 = arith.constant 5 : i32
      %parallel_loop3A_500 = vector.broadcast %parallel_loop3A_499 : i32 to vector<16xi32>
      %parallel_loop3A_501 = tpu.vector_load_idx %arg19[%parallel_loop3A_483, %iota3A, %parallel_loop3A_500] : memref<8x16x16xf32, #tpu.memory_space<vmem>>[vector<16xi32>, vector<16xi32>, vector<16xi32>], vector<16xf32>,
      %parallel_loop3A_502 = arith.constant 6 : i32
      %parallel_loop3A_503 = vector.broadcast %parallel_loop3A_502 : i32 to vector<16xi32>
      %parallel_loop3A_504 = tpu.vector_load_idx %arg19[%parallel_loop3A_483, %iota3A, %parallel_loop3A_503] : memref<8x16x16xf32, #tpu.memory_space<vmem>>[vector<16xi32>, vector<16xi32>, vector<16xi32>], vector<16xf32>,
      %parallel_loop3A_505 = arith.constant 7 : i32
      %parallel_loop3A_506 = vector.broadcast %parallel_loop3A_505 : i32 to vector<16xi32>
      %parallel_loop3A_507 = tpu.vector_load_idx %arg19[%parallel_loop3A_483, %iota3A, %parallel_loop3A_506] : memref<8x16x16xf32, #tpu.memory_space<vmem>>[vector<16xi32>, vector<16xi32>, vector<16xi32>], vector<16xf32>,
      %parallel_loop3A_508 = arith.constant 8 : i32
      %parallel_loop3A_509 = vector.broadcast %parallel_loop3A_508 : i32 to vector<16xi32>
      %parallel_loop3A_510 = tpu.vector_load_idx %arg19[%parallel_loop3A_483, %iota3A, %parallel_loop3A_509] : memref<8x16x16xf32, #tpu.memory_space<vmem>>[vector<16xi32>, vector<16xi32>, vector<16xi32>], vector<16xf32>,
      %parallel_loop3A_511 = arith.constant 9 : i32
      %parallel_loop3A_512 = vector.broadcast %parallel_loop3A_511 : i32 to vector<16xi32>
      %parallel_loop3A_513 = tpu.vector_load_idx %arg19[%parallel_loop3A_483, %iota3A, %parallel_loop3A_512] : memref<8x16x16xf32, #tpu.memory_space<vmem>>[vector<16xi32>, vector<16xi32>, vector<16xi32>], vector<16xf32>,
      %parallel_loop3A_514 = arith.constant 10 : i32
      %parallel_loop3A_515 = vector.broadcast %parallel_loop3A_514 : i32 to vector<16xi32>
      %parallel_loop3A_516 = tpu.vector_load_idx %arg19[%parallel_loop3A_483, %iota3A, %parallel_loop3A_515] : memref<8x16x16xf32, #tpu.memory_space<vmem>>[vector<16xi32>, vector<16xi32>, vector<16xi32>], vector<16xf32>,
      %parallel_loop3A_517 = arith.constant 11 : i32
      %parallel_loop3A_518 = vector.broadcast %parallel_loop3A_517 : i32 to vector<16xi32>
      %parallel_loop3A_519 = tpu.vector_load_idx %arg19[%parallel_loop3A_483, %iota3A, %parallel_loop3A_518] : memref<8x16x16xf32, #tpu.memory_space<vmem>>[vector<16xi32>, vector<16xi32>, vector<16xi32>], vector<16xf32>,
      %parallel_loop3A_520 = arith.constant 12 : i32
      %parallel_loop3A_521 = vector.broadcast %parallel_loop3A_520 : i32 to vector<16xi32>
      %parallel_loop3A_522 = tpu.vector_load_idx %arg19[%parallel_loop3A_483, %iota3A, %parallel_loop3A_521] : memref<8x16x16xf32, #tpu.memory_space<vmem>>[vector<16xi32>, vector<16xi32>, vector<16xi32>], vector<16xf32>,
      %parallel_loop3A_523 = arith.constant 13 : i32
      %parallel_loop3A_524 = vector.broadcast %parallel_loop3A_523 : i32 to vector<16xi32>
      %parallel_loop3A_525 = tpu.vector_load_idx %arg19[%parallel_loop3A_483, %iota3A, %parallel_loop3A_524] : memref<8x16x16xf32, #tpu.memory_space<vmem>>[vector<16xi32>, vector<16xi32>, vector<16xi32>], vector<16xf32>,
      %parallel_loop3A_526 = arith.constant 14 : i32
      %parallel_loop3A_527 = vector.broadcast %parallel_loop3A_526 : i32 to vector<16xi32>
      %parallel_loop3A_528 = tpu.vector_load_idx %arg19[%parallel_loop3A_483, %iota3A, %parallel_loop3A_527] : memref<8x16x16xf32, #tpu.memory_space<vmem>>[vector<16xi32>, vector<16xi32>, vector<16xi32>], vector<16xf32>,
      %parallel_loop3A_529 = arith.constant 15 : i32
      %parallel_loop3A_530 = vector.broadcast %parallel_loop3A_529 : i32 to vector<16xi32>
      %parallel_loop3A_531 = tpu.vector_load_idx %arg19[%parallel_loop3A_483, %iota3A, %parallel_loop3A_530] : memref<8x16x16xf32, #tpu.memory_space<vmem>>[vector<16xi32>, vector<16xi32>, vector<16xi32>], vector<16xf32>,
      %parallel_loop3A_532 = arith.addf %parallel_loop3A_486, %parallel_loop3A_489 : vector<16xf32>
      %parallel_loop3A_533 = arith.addf %parallel_loop3A_492, %parallel_loop3A_495 : vector<16xf32>
      %parallel_loop3A_534 = arith.addf %parallel_loop3A_498, %parallel_loop3A_501 : vector<16xf32>
      %parallel_loop3A_535 = arith.addf %parallel_loop3A_504, %parallel_loop3A_507 : vector<16xf32>
      %parallel_loop3A_536 = arith.addf %parallel_loop3A_510, %parallel_loop3A_513 : vector<16xf32>
      %parallel_loop3A_537 = arith.addf %parallel_loop3A_516, %parallel_loop3A_519 : vector<16xf32>
      %parallel_loop3A_538 = arith.addf %parallel_loop3A_522, %parallel_loop3A_525 : vector<16xf32>
      %parallel_loop3A_539 = arith.addf %parallel_loop3A_528, %parallel_loop3A_531 : vector<16xf32>
      %parallel_loop3A_540 = arith.addf %parallel_loop3A_532, %parallel_loop3A_533 : vector<16xf32>
      %parallel_loop3A_541 = arith.addf %parallel_loop3A_534, %parallel_loop3A_535 : vector<16xf32>
      %parallel_loop3A_542 = arith.addf %parallel_loop3A_536, %parallel_loop3A_537 : vector<16xf32>
      %parallel_loop3A_543 = arith.addf %parallel_loop3A_538, %parallel_loop3A_539 : vector<16xf32>
      %parallel_loop3A_544 = arith.addf %parallel_loop3A_540, %parallel_loop3A_541 : vector<16xf32>
      %parallel_loop3A_545 = arith.addf %parallel_loop3A_542, %parallel_loop3A_543 : vector<16xf32>
      %parallel_loop3A_546 = arith.addf %parallel_loop3A_544, %parallel_loop3A_545 : vector<16xf32>
      %parallel_loop3A_547 = arith.index_cast %parallel_loop3A_474 : i32 to index
      %parallel_loop3A_548 = tpu.vector_load %arg20[%parallel_loop3A_547] {strides = array<i32>} : memref<512xf32, #tpu.memory_space<vmem>>, vector<16xf32>,
      tpu.vector_store %arg20[%parallel_loop3A_547], %parallel_loop3A_546 {strides = array<i32>} : memref<512xf32, #tpu.memory_space<vmem>>, vector<16xf32>,
    } {sc.loop_unroll_factor = 1 : i64, sc.parallel_access}
    %dma_start3A_48 = arith.constant 256 : i32
    %dma_start3A_49 = tpu.memref_slice %arg10[%dma_start3A_48] : memref<512xi32, #tpu.memory_space<vmem>> -> memref<128xi32, #tpu.memory_space<vmem>>
    %dma_start3A_50 = arith.constant 0 : i32
    %dma_start3A_51 = arith.constant 0 : i32
    %dma_start3A_52 = tpu.memref_slice %arg4[%dma_start3A_50, %dma_start3A_51] : memref<100000x128xf32, #tpu.memory_space<hbm>> -> memref<100000x128xf32, #tpu.memory_space<hbm>>
    tpu.enqueue_indirect_dma source(%dma_start3A_52 : memref<100000x128xf32, #tpu.memory_space<hbm>>) target(%arg15 : memref<128x128xf32, #tpu.memory_space<vmem>>) offsets(%dma_start3A_49 : memref<128xi32, #tpu.memory_space<vmem>>) semaphore(%arg21 : memref<!tpu.dma_semaphore, #tpu.memory_space<semaphore_mem>>)
    %dma_start3A_53 = arith.constant 256 : i32
    %dma_start3A_54 = tpu.memref_slice %arg11[%dma_start3A_53] : memref<512xi32, #tpu.memory_space<vmem>> -> memref<128xi32, #tpu.memory_space<vmem>>
    %dma_start3A_55 = arith.constant 0 : i32
    %dma_start3A_56 = arith.constant 0 : i32
    %dma_start3A_57 = tpu.memref_slice %arg5[%dma_start3A_55, %dma_start3A_56] : memref<100000x128xf32, #tpu.memory_space<hbm>> -> memref<100000x128xf32, #tpu.memory_space<hbm>>
    tpu.enqueue_indirect_dma source(%dma_start3A_57 : memref<100000x128xf32, #tpu.memory_space<hbm>>) target(%arg17 : memref<128x128xf32, #tpu.memory_space<vmem>>) offsets(%dma_start3A_54 : memref<128xi32, #tpu.memory_space<vmem>>) semaphore(%arg21 : memref<!tpu.dma_semaphore, #tpu.memory_space<semaphore_mem>>)
    %dma_wait3A_58 = arith.constant 128 : i32
    %dma_wait3A_59 = tpu.memref_slice %arg10[%dma_wait3A_58] : memref<512xi32, #tpu.memory_space<vmem>> -> memref<128xi32, #tpu.memory_space<vmem>>
    %dma_wait3A_60 = arith.constant 0 : i32
    %dma_wait3A_61 = arith.constant 0 : i32
    %dma_wait3A_62 = tpu.memref_slice %arg4[%dma_wait3A_60, %dma_wait3A_61] : memref<100000x128xf32, #tpu.memory_space<hbm>> -> memref<100000x128xf32, #tpu.memory_space<hbm>>
    tpu.wait_indirect_dma semaphore(%arg22 : memref<!tpu.dma_semaphore, #tpu.memory_space<semaphore_mem>>) src(%dma_wait3A_62 : memref<100000x128xf32, #tpu.memory_space<hbm>>) dst(%arg16 : memref<128x128xf32, #tpu.memory_space<vmem>>)
    %dma_wait3A_63 = arith.constant 128 : i32
    %dma_wait3A_64 = tpu.memref_slice %arg11[%dma_wait3A_63] : memref<512xi32, #tpu.memory_space<vmem>> -> memref<128xi32, #tpu.memory_space<vmem>>
    %dma_wait3A_65 = arith.constant 0 : i32
    %dma_wait3A_66 = arith.constant 0 : i32
    %dma_wait3A_67 = tpu.memref_slice %arg5[%dma_wait3A_65, %dma_wait3A_66] : memref<100000x128xf32, #tpu.memory_space<hbm>> -> memref<100000x128xf32, #tpu.memory_space<hbm>>
    tpu.wait_indirect_dma semaphore(%arg22 : memref<!tpu.dma_semaphore, #tpu.memory_space<semaphore_mem>>) src(%dma_wait3A_67 : memref<100000x128xf32, #tpu.memory_space<hbm>>) dst(%arg18 : memref<128x128xf32, #tpu.memory_space<vmem>>)
    %parallel_loop3A_68 = arith.constant 0 : i32
    %parallel_loop3A_69 = arith.constant 8 : i32
    %parallel_loop3A_70 = arith.constant 1 : i32
    scf.for %parallel_loop3A_469 = %parallel_loop3A_68 to %parallel_loop3A_69 step %parallel_loop3A_70  : i32 {
      %parallel_loop3A_470 = arith.constant 8 : i32
      %parallel_loop3A_471 = arith.addi %parallel_loop3A_470, %parallel_loop3A_469 : i32
      %parallel_loop3A_472 = arith.constant 16 : i32
      %parallel_loop3A_473 = arith.muli %parallel_loop3A_471, %parallel_loop3A_472 : i32
      %parallel_loop3A_474 = tpu.assume_multiple %parallel_loop3A_473, 16 : i32
      %parallel_loop3A_475 = arith.constant 16 : i32
      %parallel_loop3A_476 = arith.muli %parallel_loop3A_469, %parallel_loop3A_475 : i32
      %parallel_loop3A_477 = arith.constant 0 : i32
      %parallel_loop3A_478 = arith.constant 16 : i32
      %parallel_loop3A_479 = arith.constant 1 : i32
      scf.for %parallel_loop3A_549 = %parallel_loop3A_477 to %parallel_loop3A_478 step %parallel_loop3A_479  : i32 {
        %parallel_loop3A_550 = arith.addi %parallel_loop3A_476, %parallel_loop3A_549 : i32
        %parallel_loop3A_551 = arith.index_cast %parallel_loop3A_550 : i32 to index
        %parallel_loop3A_552 = arith.constant 0 : index
        %parallel_loop3A_553 = tpu.vector_load %arg16[%parallel_loop3A_551, %parallel_loop3A_552] {strides = array<i32>} : memref<128x128xf32, #tpu.memory_space<vmem>>, vector<16xf32>,
        %parallel_loop3A_554 = arith.index_cast %parallel_loop3A_550 : i32 to index
        %parallel_loop3A_555 = arith.constant 0 : index
        %parallel_loop3A_556 = tpu.vector_load %arg18[%parallel_loop3A_554, %parallel_loop3A_555] {strides = array<i32>} : memref<128x128xf32, #tpu.memory_space<vmem>>, vector<16xf32>,
        %parallel_loop3A_557 = arith.mulf %parallel_loop3A_553, %parallel_loop3A_556 : vector<16xf32>
        %parallel_loop3A_558 = arith.index_cast %parallel_loop3A_550 : i32 to index
        %parallel_loop3A_559 = arith.constant 16 : index
        %parallel_loop3A_560 = tpu.vector_load %arg16[%parallel_loop3A_558, %parallel_loop3A_559] {strides = array<i32>} : memref<128x128xf32, #tpu.memory_space<vmem>>, vector<16xf32>,
        %parallel_loop3A_561 = arith.index_cast %parallel_loop3A_550 : i32 to index
        %parallel_loop3A_562 = arith.constant 16 : index
        %parallel_loop3A_563 = tpu.vector_load %arg18[%parallel_loop3A_561, %parallel_loop3A_562] {strides = array<i32>} : memref<128x128xf32, #tpu.memory_space<vmem>>, vector<16xf32>,
        %parallel_loop3A_564 = arith.mulf %parallel_loop3A_560, %parallel_loop3A_563 : vector<16xf32>
        %parallel_loop3A_565 = arith.addf %parallel_loop3A_557, %parallel_loop3A_564 : vector<16xf32>
        %parallel_loop3A_566 = arith.index_cast %parallel_loop3A_550 : i32 to index
        %parallel_loop3A_567 = arith.constant 32 : index
        %parallel_loop3A_568 = tpu.vector_load %arg16[%parallel_loop3A_566, %parallel_loop3A_567] {strides = array<i32>} : memref<128x128xf32, #tpu.memory_space<vmem>>, vector<16xf32>,
        %parallel_loop3A_569 = arith.index_cast %parallel_loop3A_550 : i32 to index
        %parallel_loop3A_570 = arith.constant 32 : index
        %parallel_loop3A_571 = tpu.vector_load %arg18[%parallel_loop3A_569, %parallel_loop3A_570] {strides = array<i32>} : memref<128x128xf32, #tpu.memory_space<vmem>>, vector<16xf32>,
        %parallel_loop3A_572 = arith.mulf %parallel_loop3A_568, %parallel_loop3A_571 : vector<16xf32>
        %parallel_loop3A_573 = arith.addf %parallel_loop3A_565, %parallel_loop3A_572 : vector<16xf32>
        %parallel_loop3A_574 = arith.index_cast %parallel_loop3A_550 : i32 to index
        %parallel_loop3A_575 = arith.constant 48 : index
        %parallel_loop3A_576 = tpu.vector_load %arg16[%parallel_loop3A_574, %parallel_loop3A_575] {strides = array<i32>} : memref<128x128xf32, #tpu.memory_space<vmem>>, vector<16xf32>,
        %parallel_loop3A_577 = arith.index_cast %parallel_loop3A_550 : i32 to index
        %parallel_loop3A_578 = arith.constant 48 : index
        %parallel_loop3A_579 = tpu.vector_load %arg18[%parallel_loop3A_577, %parallel_loop3A_578] {strides = array<i32>} : memref<128x128xf32, #tpu.memory_space<vmem>>, vector<16xf32>,
        %parallel_loop3A_580 = arith.mulf %parallel_loop3A_576, %parallel_loop3A_579 : vector<16xf32>
        %parallel_loop3A_581 = arith.addf %parallel_loop3A_573, %parallel_loop3A_580 : vector<16xf32>
        %parallel_loop3A_582 = arith.index_cast %parallel_loop3A_550 : i32 to index
        %parallel_loop3A_583 = arith.constant 64 : index
        %parallel_loop3A_584 = tpu.vector_load %arg16[%parallel_loop3A_582, %parallel_loop3A_583] {strides = array<i32>} : memref<128x128xf32, #tpu.memory_space<vmem>>, vector<16xf32>,
        %parallel_loop3A_585 = arith.index_cast %parallel_loop3A_550 : i32 to index
        %parallel_loop3A_586 = arith.constant 64 : index
        %parallel_loop3A_587 = tpu.vector_load %arg18[%parallel_loop3A_585, %parallel_loop3A_586] {strides = array<i32>} : memref<128x128xf32, #tpu.memory_space<vmem>>, vector<16xf32>,
        %parallel_loop3A_588 = arith.mulf %parallel_loop3A_584, %parallel_loop3A_587 : vector<16xf32>
        %parallel_loop3A_589 = arith.addf %parallel_loop3A_581, %parallel_loop3A_588 : vector<16xf32>
        %parallel_loop3A_590 = arith.index_cast %parallel_loop3A_550 : i32 to index
        %parallel_loop3A_591 = arith.constant 80 : index
        %parallel_loop3A_592 = tpu.vector_load %arg16[%parallel_loop3A_590, %parallel_loop3A_591] {strides = array<i32>} : memref<128x128xf32, #tpu.memory_space<vmem>>, vector<16xf32>,
        %parallel_loop3A_593 = arith.index_cast %parallel_loop3A_550 : i32 to index
        %parallel_loop3A_594 = arith.constant 80 : index
        %parallel_loop3A_595 = tpu.vector_load %arg18[%parallel_loop3A_593, %parallel_loop3A_594] {strides = array<i32>} : memref<128x128xf32, #tpu.memory_space<vmem>>, vector<16xf32>,
        %parallel_loop3A_596 = arith.mulf %parallel_loop3A_592, %parallel_loop3A_595 : vector<16xf32>
        %parallel_loop3A_597 = arith.addf %parallel_loop3A_589, %parallel_loop3A_596 : vector<16xf32>
        %parallel_loop3A_598 = arith.index_cast %parallel_loop3A_550 : i32 to index
        %parallel_loop3A_599 = arith.constant 96 : index
        %parallel_loop3A_600 = tpu.vector_load %arg16[%parallel_loop3A_598, %parallel_loop3A_599] {strides = array<i32>} : memref<128x128xf32, #tpu.memory_space<vmem>>, vector<16xf32>,
        %parallel_loop3A_601 = arith.index_cast %parallel_loop3A_550 : i32 to index
        %parallel_loop3A_602 = arith.constant 96 : index
        %parallel_loop3A_603 = tpu.vector_load %arg18[%parallel_loop3A_601, %parallel_loop3A_602] {strides = array<i32>} : memref<128x128xf32, #tpu.memory_space<vmem>>, vector<16xf32>,
        %parallel_loop3A_604 = arith.mulf %parallel_loop3A_600, %parallel_loop3A_603 : vector<16xf32>
        %parallel_loop3A_605 = arith.addf %parallel_loop3A_597, %parallel_loop3A_604 : vector<16xf32>
        %parallel_loop3A_606 = arith.index_cast %parallel_loop3A_550 : i32 to index
        %parallel_loop3A_607 = arith.constant 112 : index
        %parallel_loop3A_608 = tpu.vector_load %arg16[%parallel_loop3A_606, %parallel_loop3A_607] {strides = array<i32>} : memref<128x128xf32, #tpu.memory_space<vmem>>, vector<16xf32>,
        %parallel_loop3A_609 = arith.index_cast %parallel_loop3A_550 : i32 to index
        %parallel_loop3A_610 = arith.constant 112 : index
        %parallel_loop3A_611 = tpu.vector_load %arg18[%parallel_loop3A_609, %parallel_loop3A_610] {strides = array<i32>} : memref<128x128xf32, #tpu.memory_space<vmem>>, vector<16xf32>,
        %parallel_loop3A_612 = arith.mulf %parallel_loop3A_608, %parallel_loop3A_611 : vector<16xf32>
        %parallel_loop3A_613 = arith.addf %parallel_loop3A_605, %parallel_loop3A_612 : vector<16xf32>
        %parallel_loop3A_614 = arith.index_cast %parallel_loop3A_469 : i32 to index
        %parallel_loop3A_615 = arith.index_cast %parallel_loop3A_549 : i32 to index
        %parallel_loop3A_616 = arith.constant 0 : index
        %parallel_loop3A_617 = tpu.vector_load %arg19[%parallel_loop3A_614, %parallel_loop3A_615, %parallel_loop3A_616] {strides = array<i32>} : memref<8x16x16xf32, #tpu.memory_space<vmem>>, vector<16xf32>,
        tpu.vector_store %arg19[%parallel_loop3A_614, %parallel_loop3A_615, %parallel_loop3A_616], %parallel_loop3A_613 {strides = array<i32>} : memref<8x16x16xf32, #tpu.memory_space<vmem>>, vector<16xf32>,
      } {sc.loop_unroll_factor = 2 : i64, sc.parallel_access}
      %parallel_loop3A_480 = arith.constant 0 : i32
      %parallel_loop3A_481 = vector.broadcast %parallel_loop3A_480 : i32 to vector<16xi32>
      %parallel_loop3A_482 = vector.broadcast %parallel_loop3A_469 : i32 to vector<16xi32>
      %parallel_loop3A_483 = arith.addi %parallel_loop3A_481, %parallel_loop3A_482 : vector<16xi32>
      %parallel_loop3A_484 = arith.constant 0 : i32
      %parallel_loop3A_485 = vector.broadcast %parallel_loop3A_484 : i32 to vector<16xi32>
      %parallel_loop3A_486 = tpu.vector_load_idx %arg19[%parallel_loop3A_483, %iota3A, %parallel_loop3A_485] : memref<8x16x16xf32, #tpu.memory_space<vmem>>[vector<16xi32>, vector<16xi32>, vector<16xi32>], vector<16xf32>,
      %parallel_loop3A_487 = arith.constant 1 : i32
      %parallel_loop3A_488 = vector.broadcast %parallel_loop3A_487 : i32 to vector<16xi32>
      %parallel_loop3A_489 = tpu.vector_load_idx %arg19[%parallel_loop3A_483, %iota3A, %parallel_loop3A_488] : memref<8x16x16xf32, #tpu.memory_space<vmem>>[vector<16xi32>, vector<16xi32>, vector<16xi32>], vector<16xf32>,
      %parallel_loop3A_490 = arith.constant 2 : i32
      %parallel_loop3A_491 = vector.broadcast %parallel_loop3A_490 : i32 to vector<16xi32>
      %parallel_loop3A_492 = tpu.vector_load_idx %arg19[%parallel_loop3A_483, %iota3A, %parallel_loop3A_491] : memref<8x16x16xf32, #tpu.memory_space<vmem>>[vector<16xi32>, vector<16xi32>, vector<16xi32>], vector<16xf32>,
      %parallel_loop3A_493 = arith.constant 3 : i32
      %parallel_loop3A_494 = vector.broadcast %parallel_loop3A_493 : i32 to vector<16xi32>
      %parallel_loop3A_495 = tpu.vector_load_idx %arg19[%parallel_loop3A_483, %iota3A, %parallel_loop3A_494] : memref<8x16x16xf32, #tpu.memory_space<vmem>>[vector<16xi32>, vector<16xi32>, vector<16xi32>], vector<16xf32>,
      %parallel_loop3A_496 = arith.constant 4 : i32
      %parallel_loop3A_497 = vector.broadcast %parallel_loop3A_496 : i32 to vector<16xi32>
      %parallel_loop3A_498 = tpu.vector_load_idx %arg19[%parallel_loop3A_483, %iota3A, %parallel_loop3A_497] : memref<8x16x16xf32, #tpu.memory_space<vmem>>[vector<16xi32>, vector<16xi32>, vector<16xi32>], vector<16xf32>,
      %parallel_loop3A_499 = arith.constant 5 : i32
      %parallel_loop3A_500 = vector.broadcast %parallel_loop3A_499 : i32 to vector<16xi32>
      %parallel_loop3A_501 = tpu.vector_load_idx %arg19[%parallel_loop3A_483, %iota3A, %parallel_loop3A_500] : memref<8x16x16xf32, #tpu.memory_space<vmem>>[vector<16xi32>, vector<16xi32>, vector<16xi32>], vector<16xf32>,
      %parallel_loop3A_502 = arith.constant 6 : i32
      %parallel_loop3A_503 = vector.broadcast %parallel_loop3A_502 : i32 to vector<16xi32>
      %parallel_loop3A_504 = tpu.vector_load_idx %arg19[%parallel_loop3A_483, %iota3A, %parallel_loop3A_503] : memref<8x16x16xf32, #tpu.memory_space<vmem>>[vector<16xi32>, vector<16xi32>, vector<16xi32>], vector<16xf32>,
      %parallel_loop3A_505 = arith.constant 7 : i32
      %parallel_loop3A_506 = vector.broadcast %parallel_loop3A_505 : i32 to vector<16xi32>
      %parallel_loop3A_507 = tpu.vector_load_idx %arg19[%parallel_loop3A_483, %iota3A, %parallel_loop3A_506] : memref<8x16x16xf32, #tpu.memory_space<vmem>>[vector<16xi32>, vector<16xi32>, vector<16xi32>], vector<16xf32>,
      %parallel_loop3A_508 = arith.constant 8 : i32
      %parallel_loop3A_509 = vector.broadcast %parallel_loop3A_508 : i32 to vector<16xi32>
      %parallel_loop3A_510 = tpu.vector_load_idx %arg19[%parallel_loop3A_483, %iota3A, %parallel_loop3A_509] : memref<8x16x16xf32, #tpu.memory_space<vmem>>[vector<16xi32>, vector<16xi32>, vector<16xi32>], vector<16xf32>,
      %parallel_loop3A_511 = arith.constant 9 : i32
      %parallel_loop3A_512 = vector.broadcast %parallel_loop3A_511 : i32 to vector<16xi32>
      %parallel_loop3A_513 = tpu.vector_load_idx %arg19[%parallel_loop3A_483, %iota3A, %parallel_loop3A_512] : memref<8x16x16xf32, #tpu.memory_space<vmem>>[vector<16xi32>, vector<16xi32>, vector<16xi32>], vector<16xf32>,
      %parallel_loop3A_514 = arith.constant 10 : i32
      %parallel_loop3A_515 = vector.broadcast %parallel_loop3A_514 : i32 to vector<16xi32>
      %parallel_loop3A_516 = tpu.vector_load_idx %arg19[%parallel_loop3A_483, %iota3A, %parallel_loop3A_515] : memref<8x16x16xf32, #tpu.memory_space<vmem>>[vector<16xi32>, vector<16xi32>, vector<16xi32>], vector<16xf32>,
      %parallel_loop3A_517 = arith.constant 11 : i32
      %parallel_loop3A_518 = vector.broadcast %parallel_loop3A_517 : i32 to vector<16xi32>
      %parallel_loop3A_519 = tpu.vector_load_idx %arg19[%parallel_loop3A_483, %iota3A, %parallel_loop3A_518] : memref<8x16x16xf32, #tpu.memory_space<vmem>>[vector<16xi32>, vector<16xi32>, vector<16xi32>], vector<16xf32>,
      %parallel_loop3A_520 = arith.constant 12 : i32
      %parallel_loop3A_521 = vector.broadcast %parallel_loop3A_520 : i32 to vector<16xi32>
      %parallel_loop3A_522 = tpu.vector_load_idx %arg19[%parallel_loop3A_483, %iota3A, %parallel_loop3A_521] : memref<8x16x16xf32, #tpu.memory_space<vmem>>[vector<16xi32>, vector<16xi32>, vector<16xi32>], vector<16xf32>,
      %parallel_loop3A_523 = arith.constant 13 : i32
      %parallel_loop3A_524 = vector.broadcast %parallel_loop3A_523 : i32 to vector<16xi32>
      %parallel_loop3A_525 = tpu.vector_load_idx %arg19[%parallel_loop3A_483, %iota3A, %parallel_loop3A_524] : memref<8x16x16xf32, #tpu.memory_space<vmem>>[vector<16xi32>, vector<16xi32>, vector<16xi32>], vector<16xf32>,
      %parallel_loop3A_526 = arith.constant 14 : i32
      %parallel_loop3A_527 = vector.broadcast %parallel_loop3A_526 : i32 to vector<16xi32>
      %parallel_loop3A_528 = tpu.vector_load_idx %arg19[%parallel_loop3A_483, %iota3A, %parallel_loop3A_527] : memref<8x16x16xf32, #tpu.memory_space<vmem>>[vector<16xi32>, vector<16xi32>, vector<16xi32>], vector<16xf32>,
      %parallel_loop3A_529 = arith.constant 15 : i32
      %parallel_loop3A_530 = vector.broadcast %parallel_loop3A_529 : i32 to vector<16xi32>
      %parallel_loop3A_531 = tpu.vector_load_idx %arg19[%parallel_loop3A_483, %iota3A, %parallel_loop3A_530] : memref<8x16x16xf32, #tpu.memory_space<vmem>>[vector<16xi32>, vector<16xi32>, vector<16xi32>], vector<16xf32>,
      %parallel_loop3A_532 = arith.addf %parallel_loop3A_486, %parallel_loop3A_489 : vector<16xf32>
      %parallel_loop3A_533 = arith.addf %parallel_loop3A_492, %parallel_loop3A_495 : vector<16xf32>
      %parallel_loop3A_534 = arith.addf %parallel_loop3A_498, %parallel_loop3A_501 : vector<16xf32>
      %parallel_loop3A_535 = arith.addf %parallel_loop3A_504, %parallel_loop3A_507 : vector<16xf32>
      %parallel_loop3A_536 = arith.addf %parallel_loop3A_510, %parallel_loop3A_513 : vector<16xf32>
      %parallel_loop3A_537 = arith.addf %parallel_loop3A_516, %parallel_loop3A_519 : vector<16xf32>
      %parallel_loop3A_538 = arith.addf %parallel_loop3A_522, %parallel_loop3A_525 : vector<16xf32>
      %parallel_loop3A_539 = arith.addf %parallel_loop3A_528, %parallel_loop3A_531 : vector<16xf32>
      %parallel_loop3A_540 = arith.addf %parallel_loop3A_532, %parallel_loop3A_533 : vector<16xf32>
      %parallel_loop3A_541 = arith.addf %parallel_loop3A_534, %parallel_loop3A_535 : vector<16xf32>
      %parallel_loop3A_542 = arith.addf %parallel_loop3A_536, %parallel_loop3A_537 : vector<16xf32>
      %parallel_loop3A_543 = arith.addf %parallel_loop3A_538, %parallel_loop3A_539 : vector<16xf32>
      %parallel_loop3A_544 = arith.addf %parallel_loop3A_540, %parallel_loop3A_541 : vector<16xf32>
      %parallel_loop3A_545 = arith.addf %parallel_loop3A_542, %parallel_loop3A_543 : vector<16xf32>
      %parallel_loop3A_546 = arith.addf %parallel_loop3A_544, %parallel_loop3A_545 : vector<16xf32>
      %parallel_loop3A_547 = arith.index_cast %parallel_loop3A_474 : i32 to index
      %parallel_loop3A_548 = tpu.vector_load %arg20[%parallel_loop3A_547] {strides = array<i32>} : memref<512xf32, #tpu.memory_space<vmem>>, vector<16xf32>,
      tpu.vector_store %arg20[%parallel_loop3A_547], %parallel_loop3A_546 {strides = array<i32>} : memref<512xf32, #tpu.memory_space<vmem>>, vector<16xf32>,
    } {sc.loop_unroll_factor = 1 : i64, sc.parallel_access}
    %dma_start3A_71 = arith.constant 384 : i32
    %dma_start3A_72 = tpu.memref_slice %arg10[%dma_start3A_71] : memref<512xi32, #tpu.memory_space<vmem>> -> memref<128xi32, #tpu.memory_space<vmem>>
    %dma_start3A_73 = arith.constant 0 : i32
    %dma_start3A_74 = arith.constant 0 : i32
    %dma_start3A_75 = tpu.memref_slice %arg4[%dma_start3A_73, %dma_start3A_74] : memref<100000x128xf32, #tpu.memory_space<hbm>> -> memref<100000x128xf32, #tpu.memory_space<hbm>>
    tpu.enqueue_indirect_dma source(%dma_start3A_75 : memref<100000x128xf32, #tpu.memory_space<hbm>>) target(%arg16 : memref<128x128xf32, #tpu.memory_space<vmem>>) offsets(%dma_start3A_72 : memref<128xi32, #tpu.memory_space<vmem>>) semaphore(%arg22 : memref<!tpu.dma_semaphore, #tpu.memory_space<semaphore_mem>>)
    %dma_start3A_76 = arith.constant 384 : i32
    %dma_start3A_77 = tpu.memref_slice %arg11[%dma_start3A_76] : memref<512xi32, #tpu.memory_space<vmem>> -> memref<128xi32, #tpu.memory_space<vmem>>
    %dma_start3A_78 = arith.constant 0 : i32
    %dma_start3A_79 = arith.constant 0 : i32
    %dma_start3A_80 = tpu.memref_slice %arg5[%dma_start3A_78, %dma_start3A_79] : memref<100000x128xf32, #tpu.memory_space<hbm>> -> memref<100000x128xf32, #tpu.memory_space<hbm>>
    tpu.enqueue_indirect_dma source(%dma_start3A_80 : memref<100000x128xf32, #tpu.memory_space<hbm>>) target(%arg18 : memref<128x128xf32, #tpu.memory_space<vmem>>) offsets(%dma_start3A_77 : memref<128xi32, #tpu.memory_space<vmem>>) semaphore(%arg22 : memref<!tpu.dma_semaphore, #tpu.memory_space<semaphore_mem>>)
    %dma_wait3A_81 = arith.constant 256 : i32
    %dma_wait3A_82 = tpu.memref_slice %arg10[%dma_wait3A_81] : memref<512xi32, #tpu.memory_space<vmem>> -> memref<128xi32, #tpu.memory_space<vmem>>
    %dma_wait3A_83 = arith.constant 0 : i32
    %dma_wait3A_84 = arith.constant 0 : i32
    %dma_wait3A_85 = tpu.memref_slice %arg4[%dma_wait3A_83, %dma_wait3A_84] : memref<100000x128xf32, #tpu.memory_space<hbm>> -> memref<100000x128xf32, #tpu.memory_space<hbm>>
    tpu.wait_indirect_dma semaphore(%arg21 : memref<!tpu.dma_semaphore, #tpu.memory_space<semaphore_mem>>) src(%dma_wait3A_85 : memref<100000x128xf32, #tpu.memory_space<hbm>>) dst(%arg15 : memref<128x128xf32, #tpu.memory_space<vmem>>)
    %dma_wait3A_86 = arith.constant 256 : i32
    %dma_wait3A_87 = tpu.memref_slice %arg11[%dma_wait3A_86] : memref<512xi32, #tpu.memory_space<vmem>> -> memref<128xi32, #tpu.memory_space<vmem>>
    %dma_wait3A_88 = arith.constant 0 : i32
    %dma_wait3A_89 = arith.constant 0 : i32
    %dma_wait3A_90 = tpu.memref_slice %arg5[%dma_wait3A_88, %dma_wait3A_89] : memref<100000x128xf32, #tpu.memory_space<hbm>> -> memref<100000x128xf32, #tpu.memory_space<hbm>>
    tpu.wait_indirect_dma semaphore(%arg21 : memref<!tpu.dma_semaphore, #tpu.memory_space<semaphore_mem>>) src(%dma_wait3A_90 : memref<100000x128xf32, #tpu.memory_space<hbm>>) dst(%arg17 : memref<128x128xf32, #tpu.memory_space<vmem>>)
    %parallel_loop3A_91 = arith.constant 0 : i32
    %parallel_loop3A_92 = arith.constant 8 : i32
    %parallel_loop3A_93 = arith.constant 1 : i32
    scf.for %parallel_loop3A_469 = %parallel_loop3A_91 to %parallel_loop3A_92 step %parallel_loop3A_93  : i32 {
      %parallel_loop3A_470 = arith.constant 16 : i32
      %parallel_loop3A_471 = arith.addi %parallel_loop3A_470, %parallel_loop3A_469 : i32
      %parallel_loop3A_472 = arith.constant 16 : i32
      %parallel_loop3A_473 = arith.muli %parallel_loop3A_471, %parallel_loop3A_472 : i32
      %parallel_loop3A_474 = tpu.assume_multiple %parallel_loop3A_473, 16 : i32
      %parallel_loop3A_475 = arith.constant 16 : i32
      %parallel_loop3A_476 = arith.muli %parallel_loop3A_469, %parallel_loop3A_475 : i32
      %parallel_loop3A_477 = arith.constant 0 : i32
      %parallel_loop3A_478 = arith.constant 16 : i32
      %parallel_loop3A_479 = arith.constant 1 : i32
      scf.for %parallel_loop3A_549 = %parallel_loop3A_477 to %parallel_loop3A_478 step %parallel_loop3A_479  : i32 {
        %parallel_loop3A_550 = arith.addi %parallel_loop3A_476, %parallel_loop3A_549 : i32
        %parallel_loop3A_551 = arith.index_cast %parallel_loop3A_550 : i32 to index
        %parallel_loop3A_552 = arith.constant 0 : index
        %parallel_loop3A_553 = tpu.vector_load %arg15[%parallel_loop3A_551, %parallel_loop3A_552] {strides = array<i32>} : memref<128x128xf32, #tpu.memory_space<vmem>>, vector<16xf32>,
        %parallel_loop3A_554 = arith.index_cast %parallel_loop3A_550 : i32 to index
        %parallel_loop3A_555 = arith.constant 0 : index
        %parallel_loop3A_556 = tpu.vector_load %arg17[%parallel_loop3A_554, %parallel_loop3A_555] {strides = array<i32>} : memref<128x128xf32, #tpu.memory_space<vmem>>, vector<16xf32>,
        %parallel_loop3A_557 = arith.mulf %parallel_loop3A_553, %parallel_loop3A_556 : vector<16xf32>
        %parallel_loop3A_558 = arith.index_cast %parallel_loop3A_550 : i32 to index
        %parallel_loop3A_559 = arith.constant 16 : index
        %parallel_loop3A_560 = tpu.vector_load %arg15[%parallel_loop3A_558, %parallel_loop3A_559] {strides = array<i32>} : memref<128x128xf32, #tpu.memory_space<vmem>>, vector<16xf32>,
        %parallel_loop3A_561 = arith.index_cast %parallel_loop3A_550 : i32 to index
        %parallel_loop3A_562 = arith.constant 16 : index
        %parallel_loop3A_563 = tpu.vector_load %arg17[%parallel_loop3A_561, %parallel_loop3A_562] {strides = array<i32>} : memref<128x128xf32, #tpu.memory_space<vmem>>, vector<16xf32>,
        %parallel_loop3A_564 = arith.mulf %parallel_loop3A_560, %parallel_loop3A_563 : vector<16xf32>
        %parallel_loop3A_565 = arith.addf %parallel_loop3A_557, %parallel_loop3A_564 : vector<16xf32>
        %parallel_loop3A_566 = arith.index_cast %parallel_loop3A_550 : i32 to index
        %parallel_loop3A_567 = arith.constant 32 : index
        %parallel_loop3A_568 = tpu.vector_load %arg15[%parallel_loop3A_566, %parallel_loop3A_567] {strides = array<i32>} : memref<128x128xf32, #tpu.memory_space<vmem>>, vector<16xf32>,
        %parallel_loop3A_569 = arith.index_cast %parallel_loop3A_550 : i32 to index
        %parallel_loop3A_570 = arith.constant 32 : index
        %parallel_loop3A_571 = tpu.vector_load %arg17[%parallel_loop3A_569, %parallel_loop3A_570] {strides = array<i32>} : memref<128x128xf32, #tpu.memory_space<vmem>>, vector<16xf32>,
        %parallel_loop3A_572 = arith.mulf %parallel_loop3A_568, %parallel_loop3A_571 : vector<16xf32>
        %parallel_loop3A_573 = arith.addf %parallel_loop3A_565, %parallel_loop3A_572 : vector<16xf32>
        %parallel_loop3A_574 = arith.index_cast %parallel_loop3A_550 : i32 to index
        %parallel_loop3A_575 = arith.constant 48 : index
        %parallel_loop3A_576 = tpu.vector_load %arg15[%parallel_loop3A_574, %parallel_loop3A_575] {strides = array<i32>} : memref<128x128xf32, #tpu.memory_space<vmem>>, vector<16xf32>,
        %parallel_loop3A_577 = arith.index_cast %parallel_loop3A_550 : i32 to index
        %parallel_loop3A_578 = arith.constant 48 : index
        %parallel_loop3A_579 = tpu.vector_load %arg17[%parallel_loop3A_577, %parallel_loop3A_578] {strides = array<i32>} : memref<128x128xf32, #tpu.memory_space<vmem>>, vector<16xf32>,
        %parallel_loop3A_580 = arith.mulf %parallel_loop3A_576, %parallel_loop3A_579 : vector<16xf32>
        %parallel_loop3A_581 = arith.addf %parallel_loop3A_573, %parallel_loop3A_580 : vector<16xf32>
        %parallel_loop3A_582 = arith.index_cast %parallel_loop3A_550 : i32 to index
        %parallel_loop3A_583 = arith.constant 64 : index
        %parallel_loop3A_584 = tpu.vector_load %arg15[%parallel_loop3A_582, %parallel_loop3A_583] {strides = array<i32>} : memref<128x128xf32, #tpu.memory_space<vmem>>, vector<16xf32>,
        %parallel_loop3A_585 = arith.index_cast %parallel_loop3A_550 : i32 to index
        %parallel_loop3A_586 = arith.constant 64 : index
        %parallel_loop3A_587 = tpu.vector_load %arg17[%parallel_loop3A_585, %parallel_loop3A_586] {strides = array<i32>} : memref<128x128xf32, #tpu.memory_space<vmem>>, vector<16xf32>,
        %parallel_loop3A_588 = arith.mulf %parallel_loop3A_584, %parallel_loop3A_587 : vector<16xf32>
        %parallel_loop3A_589 = arith.addf %parallel_loop3A_581, %parallel_loop3A_588 : vector<16xf32>
        %parallel_loop3A_590 = arith.index_cast %parallel_loop3A_550 : i32 to index
        %parallel_loop3A_591 = arith.constant 80 : index
        %parallel_loop3A_592 = tpu.vector_load %arg15[%parallel_loop3A_590, %parallel_loop3A_591] {strides = array<i32>} : memref<128x128xf32, #tpu.memory_space<vmem>>, vector<16xf32>,
        %parallel_loop3A_593 = arith.index_cast %parallel_loop3A_550 : i32 to index
        %parallel_loop3A_594 = arith.constant 80 : index
        %parallel_loop3A_595 = tpu.vector_load %arg17[%parallel_loop3A_593, %parallel_loop3A_594] {strides = array<i32>} : memref<128x128xf32, #tpu.memory_space<vmem>>, vector<16xf32>,
        %parallel_loop3A_596 = arith.mulf %parallel_loop3A_592, %parallel_loop3A_595 : vector<16xf32>
        %parallel_loop3A_597 = arith.addf %parallel_loop3A_589, %parallel_loop3A_596 : vector<16xf32>
        %parallel_loop3A_598 = arith.index_cast %parallel_loop3A_550 : i32 to index
        %parallel_loop3A_599 = arith.constant 96 : index
        %parallel_loop3A_600 = tpu.vector_load %arg15[%parallel_loop3A_598, %parallel_loop3A_599] {strides = array<i32>} : memref<128x128xf32, #tpu.memory_space<vmem>>, vector<16xf32>,
        %parallel_loop3A_601 = arith.index_cast %parallel_loop3A_550 : i32 to index
        %parallel_loop3A_602 = arith.constant 96 : index
        %parallel_loop3A_603 = tpu.vector_load %arg17[%parallel_loop3A_601, %parallel_loop3A_602] {strides = array<i32>} : memref<128x128xf32, #tpu.memory_space<vmem>>, vector<16xf32>,
        %parallel_loop3A_604 = arith.mulf %parallel_loop3A_600, %parallel_loop3A_603 : vector<16xf32>
        %parallel_loop3A_605 = arith.addf %parallel_loop3A_597, %parallel_loop3A_604 : vector<16xf32>
        %parallel_loop3A_606 = arith.index_cast %parallel_loop3A_550 : i32 to index
        %parallel_loop3A_607 = arith.constant 112 : index
        %parallel_loop3A_608 = tpu.vector_load %arg15[%parallel_loop3A_606, %parallel_loop3A_607] {strides = array<i32>} : memref<128x128xf32, #tpu.memory_space<vmem>>, vector<16xf32>,
        %parallel_loop3A_609 = arith.index_cast %parallel_loop3A_550 : i32 to index
        %parallel_loop3A_610 = arith.constant 112 : index
        %parallel_loop3A_611 = tpu.vector_load %arg17[%parallel_loop3A_609, %parallel_loop3A_610] {strides = array<i32>} : memref<128x128xf32, #tpu.memory_space<vmem>>, vector<16xf32>,
        %parallel_loop3A_612 = arith.mulf %parallel_loop3A_608, %parallel_loop3A_611 : vector<16xf32>
        %parallel_loop3A_613 = arith.addf %parallel_loop3A_605, %parallel_loop3A_612 : vector<16xf32>
        %parallel_loop3A_614 = arith.index_cast %parallel_loop3A_469 : i32 to index
        %parallel_loop3A_615 = arith.index_cast %parallel_loop3A_549 : i32 to index
        %parallel_loop3A_616 = arith.constant 0 : index
        %parallel_loop3A_617 = tpu.vector_load %arg19[%parallel_loop3A_614, %parallel_loop3A_615, %parallel_loop3A_616] {strides = array<i32>} : memref<8x16x16xf32, #tpu.memory_space<vmem>>, vector<16xf32>,
        tpu.vector_store %arg19[%parallel_loop3A_614, %parallel_loop3A_615, %parallel_loop3A_616], %parallel_loop3A_613 {strides = array<i32>} : memref<8x16x16xf32, #tpu.memory_space<vmem>>, vector<16xf32>,
      } {sc.loop_unroll_factor = 2 : i64, sc.parallel_access}
      %parallel_loop3A_480 = arith.constant 0 : i32
      %parallel_loop3A_481 = vector.broadcast %parallel_loop3A_480 : i32 to vector<16xi32>
      %parallel_loop3A_482 = vector.broadcast %parallel_loop3A_469 : i32 to vector<16xi32>
      %parallel_loop3A_483 = arith.addi %parallel_loop3A_481, %parallel_loop3A_482 : vector<16xi32>
      %parallel_loop3A_484 = arith.constant 0 : i32
      %parallel_loop3A_485 = vector.broadcast %parallel_loop3A_484 : i32 to vector<16xi32>
      %parallel_loop3A_486 = tpu.vector_load_idx %arg19[%parallel_loop3A_483, %iota3A, %parallel_loop3A_485] : memref<8x16x16xf32, #tpu.memory_space<vmem>>[vector<16xi32>, vector<16xi32>, vector<16xi32>], vector<16xf32>,
      %parallel_loop3A_487 = arith.constant 1 : i32
      %parallel_loop3A_488 = vector.broadcast %parallel_loop3A_487 : i32 to vector<16xi32>
      %parallel_loop3A_489 = tpu.vector_load_idx %arg19[%parallel_loop3A_483, %iota3A, %parallel_loop3A_488] : memref<8x16x16xf32, #tpu.memory_space<vmem>>[vector<16xi32>, vector<16xi32>, vector<16xi32>], vector<16xf32>,
      %parallel_loop3A_490 = arith.constant 2 : i32
      %parallel_loop3A_491 = vector.broadcast %parallel_loop3A_490 : i32 to vector<16xi32>
      %parallel_loop3A_492 = tpu.vector_load_idx %arg19[%parallel_loop3A_483, %iota3A, %parallel_loop3A_491] : memref<8x16x16xf32, #tpu.memory_space<vmem>>[vector<16xi32>, vector<16xi32>, vector<16xi32>], vector<16xf32>,
      %parallel_loop3A_493 = arith.constant 3 : i32
      %parallel_loop3A_494 = vector.broadcast %parallel_loop3A_493 : i32 to vector<16xi32>
      %parallel_loop3A_495 = tpu.vector_load_idx %arg19[%parallel_loop3A_483, %iota3A, %parallel_loop3A_494] : memref<8x16x16xf32, #tpu.memory_space<vmem>>[vector<16xi32>, vector<16xi32>, vector<16xi32>], vector<16xf32>,
      %parallel_loop3A_496 = arith.constant 4 : i32
      %parallel_loop3A_497 = vector.broadcast %parallel_loop3A_496 : i32 to vector<16xi32>
      %parallel_loop3A_498 = tpu.vector_load_idx %arg19[%parallel_loop3A_483, %iota3A, %parallel_loop3A_497] : memref<8x16x16xf32, #tpu.memory_space<vmem>>[vector<16xi32>, vector<16xi32>, vector<16xi32>], vector<16xf32>,
      %parallel_loop3A_499 = arith.constant 5 : i32
      %parallel_loop3A_500 = vector.broadcast %parallel_loop3A_499 : i32 to vector<16xi32>
      %parallel_loop3A_501 = tpu.vector_load_idx %arg19[%parallel_loop3A_483, %iota3A, %parallel_loop3A_500] : memref<8x16x16xf32, #tpu.memory_space<vmem>>[vector<16xi32>, vector<16xi32>, vector<16xi32>], vector<16xf32>,
      %parallel_loop3A_502 = arith.constant 6 : i32
      %parallel_loop3A_503 = vector.broadcast %parallel_loop3A_502 : i32 to vector<16xi32>
      %parallel_loop3A_504 = tpu.vector_load_idx %arg19[%parallel_loop3A_483, %iota3A, %parallel_loop3A_503] : memref<8x16x16xf32, #tpu.memory_space<vmem>>[vector<16xi32>, vector<16xi32>, vector<16xi32>], vector<16xf32>,
      %parallel_loop3A_505 = arith.constant 7 : i32
      %parallel_loop3A_506 = vector.broadcast %parallel_loop3A_505 : i32 to vector<16xi32>
      %parallel_loop3A_507 = tpu.vector_load_idx %arg19[%parallel_loop3A_483, %iota3A, %parallel_loop3A_506] : memref<8x16x16xf32, #tpu.memory_space<vmem>>[vector<16xi32>, vector<16xi32>, vector<16xi32>], vector<16xf32>,
      %parallel_loop3A_508 = arith.constant 8 : i32
      %parallel_loop3A_509 = vector.broadcast %parallel_loop3A_508 : i32 to vector<16xi32>
      %parallel_loop3A_510 = tpu.vector_load_idx %arg19[%parallel_loop3A_483, %iota3A, %parallel_loop3A_509] : memref<8x16x16xf32, #tpu.memory_space<vmem>>[vector<16xi32>, vector<16xi32>, vector<16xi32>], vector<16xf32>,
      %parallel_loop3A_511 = arith.constant 9 : i32
      %parallel_loop3A_512 = vector.broadcast %parallel_loop3A_511 : i32 to vector<16xi32>
      %parallel_loop3A_513 = tpu.vector_load_idx %arg19[%parallel_loop3A_483, %iota3A, %parallel_loop3A_512] : memref<8x16x16xf32, #tpu.memory_space<vmem>>[vector<16xi32>, vector<16xi32>, vector<16xi32>], vector<16xf32>,
      %parallel_loop3A_514 = arith.constant 10 : i32
      %parallel_loop3A_515 = vector.broadcast %parallel_loop3A_514 : i32 to vector<16xi32>
      %parallel_loop3A_516 = tpu.vector_load_idx %arg19[%parallel_loop3A_483, %iota3A, %parallel_loop3A_515] : memref<8x16x16xf32, #tpu.memory_space<vmem>>[vector<16xi32>, vector<16xi32>, vector<16xi32>], vector<16xf32>,
      %parallel_loop3A_517 = arith.constant 11 : i32
      %parallel_loop3A_518 = vector.broadcast %parallel_loop3A_517 : i32 to vector<16xi32>
      %parallel_loop3A_519 = tpu.vector_load_idx %arg19[%parallel_loop3A_483, %iota3A, %parallel_loop3A_518] : memref<8x16x16xf32, #tpu.memory_space<vmem>>[vector<16xi32>, vector<16xi32>, vector<16xi32>], vector<16xf32>,
      %parallel_loop3A_520 = arith.constant 12 : i32
      %parallel_loop3A_521 = vector.broadcast %parallel_loop3A_520 : i32 to vector<16xi32>
      %parallel_loop3A_522 = tpu.vector_load_idx %arg19[%parallel_loop3A_483, %iota3A, %parallel_loop3A_521] : memref<8x16x16xf32, #tpu.memory_space<vmem>>[vector<16xi32>, vector<16xi32>, vector<16xi32>], vector<16xf32>,
      %parallel_loop3A_523 = arith.constant 13 : i32
      %parallel_loop3A_524 = vector.broadcast %parallel_loop3A_523 : i32 to vector<16xi32>
      %parallel_loop3A_525 = tpu.vector_load_idx %arg19[%parallel_loop3A_483, %iota3A, %parallel_loop3A_524] : memref<8x16x16xf32, #tpu.memory_space<vmem>>[vector<16xi32>, vector<16xi32>, vector<16xi32>], vector<16xf32>,
      %parallel_loop3A_526 = arith.constant 14 : i32
      %parallel_loop3A_527 = vector.broadcast %parallel_loop3A_526 : i32 to vector<16xi32>
      %parallel_loop3A_528 = tpu.vector_load_idx %arg19[%parallel_loop3A_483, %iota3A, %parallel_loop3A_527] : memref<8x16x16xf32, #tpu.memory_space<vmem>>[vector<16xi32>, vector<16xi32>, vector<16xi32>], vector<16xf32>,
      %parallel_loop3A_529 = arith.constant 15 : i32
      %parallel_loop3A_530 = vector.broadcast %parallel_loop3A_529 : i32 to vector<16xi32>
      %parallel_loop3A_531 = tpu.vector_load_idx %arg19[%parallel_loop3A_483, %iota3A, %parallel_loop3A_530] : memref<8x16x16xf32, #tpu.memory_space<vmem>>[vector<16xi32>, vector<16xi32>, vector<16xi32>], vector<16xf32>,
      %parallel_loop3A_532 = arith.addf %parallel_loop3A_486, %parallel_loop3A_489 : vector<16xf32>
      %parallel_loop3A_533 = arith.addf %parallel_loop3A_492, %parallel_loop3A_495 : vector<16xf32>
      %parallel_loop3A_534 = arith.addf %parallel_loop3A_498, %parallel_loop3A_501 : vector<16xf32>
      %parallel_loop3A_535 = arith.addf %parallel_loop3A_504, %parallel_loop3A_507 : vector<16xf32>
      %parallel_loop3A_536 = arith.addf %parallel_loop3A_510, %parallel_loop3A_513 : vector<16xf32>
      %parallel_loop3A_537 = arith.addf %parallel_loop3A_516, %parallel_loop3A_519 : vector<16xf32>
      %parallel_loop3A_538 = arith.addf %parallel_loop3A_522, %parallel_loop3A_525 : vector<16xf32>
      %parallel_loop3A_539 = arith.addf %parallel_loop3A_528, %parallel_loop3A_531 : vector<16xf32>
      %parallel_loop3A_540 = arith.addf %parallel_loop3A_532, %parallel_loop3A_533 : vector<16xf32>
      %parallel_loop3A_541 = arith.addf %parallel_loop3A_534, %parallel_loop3A_535 : vector<16xf32>
      %parallel_loop3A_542 = arith.addf %parallel_loop3A_536, %parallel_loop3A_537 : vector<16xf32>
      %parallel_loop3A_543 = arith.addf %parallel_loop3A_538, %parallel_loop3A_539 : vector<16xf32>
      %parallel_loop3A_544 = arith.addf %parallel_loop3A_540, %parallel_loop3A_541 : vector<16xf32>
      %parallel_loop3A_545 = arith.addf %parallel_loop3A_542, %parallel_loop3A_543 : vector<16xf32>
      %parallel_loop3A_546 = arith.addf %parallel_loop3A_544, %parallel_loop3A_545 : vector<16xf32>
      %parallel_loop3A_547 = arith.index_cast %parallel_loop3A_474 : i32 to index
      %parallel_loop3A_548 = tpu.vector_load %arg20[%parallel_loop3A_547] {strides = array<i32>} : memref<512xf32, #tpu.memory_space<vmem>>, vector<16xf32>,
      tpu.vector_store %arg20[%parallel_loop3A_547], %parallel_loop3A_546 {strides = array<i32>} : memref<512xf32, #tpu.memory_space<vmem>>, vector<16xf32>,
    } {sc.loop_unroll_factor = 1 : i64, sc.parallel_access}
    %dma_wait3A_94 = arith.constant 384 : i32
    %dma_wait3A_95 = tpu.memref_slice %arg10[%dma_wait3A_94] : memref<512xi32, #tpu.memory_space<vmem>> -> memref<128xi32, #tpu.memory_space<vmem>>
    %dma_wait3A_96 = arith.constant 0 : i32
    %dma_wait3A_97 = arith.constant 0 : i32
    %dma_wait3A_98 = tpu.memref_slice %arg4[%dma_wait3A_96, %dma_wait3A_97] : memref<100000x128xf32, #tpu.memory_space<hbm>> -> memref<100000x128xf32, #tpu.memory_space<hbm>>
    tpu.wait_indirect_dma semaphore(%arg22 : memref<!tpu.dma_semaphore, #tpu.memory_space<semaphore_mem>>) src(%dma_wait3A_98 : memref<100000x128xf32, #tpu.memory_space<hbm>>) dst(%arg16 : memref<128x128xf32, #tpu.memory_space<vmem>>)
    %dma_wait3A_99 = arith.constant 384 : i32
    %dma_wait3A_100 = tpu.memref_slice %arg11[%dma_wait3A_99] : memref<512xi32, #tpu.memory_space<vmem>> -> memref<128xi32, #tpu.memory_space<vmem>>
    %dma_wait3A_101 = arith.constant 0 : i32
    %dma_wait3A_102 = arith.constant 0 : i32
    %dma_wait3A_103 = tpu.memref_slice %arg5[%dma_wait3A_101, %dma_wait3A_102] : memref<100000x128xf32, #tpu.memory_space<hbm>> -> memref<100000x128xf32, #tpu.memory_space<hbm>>
    tpu.wait_indirect_dma semaphore(%arg22 : memref<!tpu.dma_semaphore, #tpu.memory_space<semaphore_mem>>) src(%dma_wait3A_103 : memref<100000x128xf32, #tpu.memory_space<hbm>>) dst(%arg18 : memref<128x128xf32, #tpu.memory_space<vmem>>)
    %parallel_loop3A_104 = arith.constant 0 : i32
    %parallel_loop3A_105 = arith.constant 8 : i32
    %parallel_loop3A_106 = arith.constant 1 : i32
    scf.for %parallel_loop3A_469 = %parallel_loop3A_104 to %parallel_loop3A_105 step %parallel_loop3A_106  : i32 {
      %parallel_loop3A_470 = arith.constant 24 : i32
      %parallel_loop3A_471 = arith.addi %parallel_loop3A_470, %parallel_loop3A_469 : i32
      %parallel_loop3A_472 = arith.constant 16 : i32
      %parallel_loop3A_473 = arith.muli %parallel_loop3A_471, %parallel_loop3A_472 : i32
      %parallel_loop3A_474 = tpu.assume_multiple %parallel_loop3A_473, 16 : i32
      %parallel_loop3A_475 = arith.constant 16 : i32
      %parallel_loop3A_476 = arith.muli %parallel_loop3A_469, %parallel_loop3A_475 : i32
      %parallel_loop3A_477 = arith.constant 0 : i32
      %parallel_loop3A_478 = arith.constant 16 : i32
      %parallel_loop3A_479 = arith.constant 1 : i32
      scf.for %parallel_loop3A_549 = %parallel_loop3A_477 to %parallel_loop3A_478 step %parallel_loop3A_479  : i32 {
        %parallel_loop3A_550 = arith.addi %parallel_loop3A_476, %parallel_loop3A_549 : i32
        %parallel_loop3A_551 = arith.index_cast %parallel_loop3A_550 : i32 to index
        %parallel_loop3A_552 = arith.constant 0 : index
        %parallel_loop3A_553 = tpu.vector_load %arg16[%parallel_loop3A_551, %parallel_loop3A_552] {strides = array<i32>} : memref<128x128xf32, #tpu.memory_space<vmem>>, vector<16xf32>,
        %parallel_loop3A_554 = arith.index_cast %parallel_loop3A_550 : i32 to index
        %parallel_loop3A_555 = arith.constant 0 : index
        %parallel_loop3A_556 = tpu.vector_load %arg18[%parallel_loop3A_554, %parallel_loop3A_555] {strides = array<i32>} : memref<128x128xf32, #tpu.memory_space<vmem>>, vector<16xf32>,
        %parallel_loop3A_557 = arith.mulf %parallel_loop3A_553, %parallel_loop3A_556 : vector<16xf32>
        %parallel_loop3A_558 = arith.index_cast %parallel_loop3A_550 : i32 to index
        %parallel_loop3A_559 = arith.constant 16 : index
        %parallel_loop3A_560 = tpu.vector_load %arg16[%parallel_loop3A_558, %parallel_loop3A_559] {strides = array<i32>} : memref<128x128xf32, #tpu.memory_space<vmem>>, vector<16xf32>,
        %parallel_loop3A_561 = arith.index_cast %parallel_loop3A_550 : i32 to index
        %parallel_loop3A_562 = arith.constant 16 : index
        %parallel_loop3A_563 = tpu.vector_load %arg18[%parallel_loop3A_561, %parallel_loop3A_562] {strides = array<i32>} : memref<128x128xf32, #tpu.memory_space<vmem>>, vector<16xf32>,
        %parallel_loop3A_564 = arith.mulf %parallel_loop3A_560, %parallel_loop3A_563 : vector<16xf32>
        %parallel_loop3A_565 = arith.addf %parallel_loop3A_557, %parallel_loop3A_564 : vector<16xf32>
        %parallel_loop3A_566 = arith.index_cast %parallel_loop3A_550 : i32 to index
        %parallel_loop3A_567 = arith.constant 32 : index
        %parallel_loop3A_568 = tpu.vector_load %arg16[%parallel_loop3A_566, %parallel_loop3A_567] {strides = array<i32>} : memref<128x128xf32, #tpu.memory_space<vmem>>, vector<16xf32>,
        %parallel_loop3A_569 = arith.index_cast %parallel_loop3A_550 : i32 to index
        %parallel_loop3A_570 = arith.constant 32 : index
        %parallel_loop3A_571 = tpu.vector_load %arg18[%parallel_loop3A_569, %parallel_loop3A_570] {strides = array<i32>} : memref<128x128xf32, #tpu.memory_space<vmem>>, vector<16xf32>,
        %parallel_loop3A_572 = arith.mulf %parallel_loop3A_568, %parallel_loop3A_571 : vector<16xf32>
        %parallel_loop3A_573 = arith.addf %parallel_loop3A_565, %parallel_loop3A_572 : vector<16xf32>
        %parallel_loop3A_574 = arith.index_cast %parallel_loop3A_550 : i32 to index
        %parallel_loop3A_575 = arith.constant 48 : index
        %parallel_loop3A_576 = tpu.vector_load %arg16[%parallel_loop3A_574, %parallel_loop3A_575] {strides = array<i32>} : memref<128x128xf32, #tpu.memory_space<vmem>>, vector<16xf32>,
        %parallel_loop3A_577 = arith.index_cast %parallel_loop3A_550 : i32 to index
        %parallel_loop3A_578 = arith.constant 48 : index
        %parallel_loop3A_579 = tpu.vector_load %arg18[%parallel_loop3A_577, %parallel_loop3A_578] {strides = array<i32>} : memref<128x128xf32, #tpu.memory_space<vmem>>, vector<16xf32>,
        %parallel_loop3A_580 = arith.mulf %parallel_loop3A_576, %parallel_loop3A_579 : vector<16xf32>
        %parallel_loop3A_581 = arith.addf %parallel_loop3A_573, %parallel_loop3A_580 : vector<16xf32>
        %parallel_loop3A_582 = arith.index_cast %parallel_loop3A_550 : i32 to index
        %parallel_loop3A_583 = arith.constant 64 : index
        %parallel_loop3A_584 = tpu.vector_load %arg16[%parallel_loop3A_582, %parallel_loop3A_583] {strides = array<i32>} : memref<128x128xf32, #tpu.memory_space<vmem>>, vector<16xf32>,
        %parallel_loop3A_585 = arith.index_cast %parallel_loop3A_550 : i32 to index
        %parallel_loop3A_586 = arith.constant 64 : index
        %parallel_loop3A_587 = tpu.vector_load %arg18[%parallel_loop3A_585, %parallel_loop3A_586] {strides = array<i32>} : memref<128x128xf32, #tpu.memory_space<vmem>>, vector<16xf32>,
        %parallel_loop3A_588 = arith.mulf %parallel_loop3A_584, %parallel_loop3A_587 : vector<16xf32>
        %parallel_loop3A_589 = arith.addf %parallel_loop3A_581, %parallel_loop3A_588 : vector<16xf32>
        %parallel_loop3A_590 = arith.index_cast %parallel_loop3A_550 : i32 to index
        %parallel_loop3A_591 = arith.constant 80 : index
        %parallel_loop3A_592 = tpu.vector_load %arg16[%parallel_loop3A_590, %parallel_loop3A_591] {strides = array<i32>} : memref<128x128xf32, #tpu.memory_space<vmem>>, vector<16xf32>,
        %parallel_loop3A_593 = arith.index_cast %parallel_loop3A_550 : i32 to index
        %parallel_loop3A_594 = arith.constant 80 : index
        %parallel_loop3A_595 = tpu.vector_load %arg18[%parallel_loop3A_593, %parallel_loop3A_594] {strides = array<i32>} : memref<128x128xf32, #tpu.memory_space<vmem>>, vector<16xf32>,
        %parallel_loop3A_596 = arith.mulf %parallel_loop3A_592, %parallel_loop3A_595 : vector<16xf32>
        %parallel_loop3A_597 = arith.addf %parallel_loop3A_589, %parallel_loop3A_596 : vector<16xf32>
        %parallel_loop3A_598 = arith.index_cast %parallel_loop3A_550 : i32 to index
        %parallel_loop3A_599 = arith.constant 96 : index
        %parallel_loop3A_600 = tpu.vector_load %arg16[%parallel_loop3A_598, %parallel_loop3A_599] {strides = array<i32>} : memref<128x128xf32, #tpu.memory_space<vmem>>, vector<16xf32>,
        %parallel_loop3A_601 = arith.index_cast %parallel_loop3A_550 : i32 to index
        %parallel_loop3A_602 = arith.constant 96 : index
        %parallel_loop3A_603 = tpu.vector_load %arg18[%parallel_loop3A_601, %parallel_loop3A_602] {strides = array<i32>} : memref<128x128xf32, #tpu.memory_space<vmem>>, vector<16xf32>,
        %parallel_loop3A_604 = arith.mulf %parallel_loop3A_600, %parallel_loop3A_603 : vector<16xf32>
        %parallel_loop3A_605 = arith.addf %parallel_loop3A_597, %parallel_loop3A_604 : vector<16xf32>
        %parallel_loop3A_606 = arith.index_cast %parallel_loop3A_550 : i32 to index
        %parallel_loop3A_607 = arith.constant 112 : index
        %parallel_loop3A_608 = tpu.vector_load %arg16[%parallel_loop3A_606, %parallel_loop3A_607] {strides = array<i32>} : memref<128x128xf32, #tpu.memory_space<vmem>>, vector<16xf32>,
        %parallel_loop3A_609 = arith.index_cast %parallel_loop3A_550 : i32 to index
        %parallel_loop3A_610 = arith.constant 112 : index
        %parallel_loop3A_611 = tpu.vector_load %arg18[%parallel_loop3A_609, %parallel_loop3A_610] {strides = array<i32>} : memref<128x128xf32, #tpu.memory_space<vmem>>, vector<16xf32>,
        %parallel_loop3A_612 = arith.mulf %parallel_loop3A_608, %parallel_loop3A_611 : vector<16xf32>
        %parallel_loop3A_613 = arith.addf %parallel_loop3A_605, %parallel_loop3A_612 : vector<16xf32>
        %parallel_loop3A_614 = arith.index_cast %parallel_loop3A_469 : i32 to index
        %parallel_loop3A_615 = arith.index_cast %parallel_loop3A_549 : i32 to index
        %parallel_loop3A_616 = arith.constant 0 : index
        %parallel_loop3A_617 = tpu.vector_load %arg19[%parallel_loop3A_614, %parallel_loop3A_615, %parallel_loop3A_616] {strides = array<i32>} : memref<8x16x16xf32, #tpu.memory_space<vmem>>, vector<16xf32>,
        tpu.vector_store %arg19[%parallel_loop3A_614, %parallel_loop3A_615, %parallel_loop3A_616], %parallel_loop3A_613 {strides = array<i32>} : memref<8x16x16xf32, #tpu.memory_space<vmem>>, vector<16xf32>,
      } {sc.loop_unroll_factor = 2 : i64, sc.parallel_access}
      %parallel_loop3A_480 = arith.constant 0 : i32
      %parallel_loop3A_481 = vector.broadcast %parallel_loop3A_480 : i32 to vector<16xi32>
      %parallel_loop3A_482 = vector.broadcast %parallel_loop3A_469 : i32 to vector<16xi32>
      %parallel_loop3A_483 = arith.addi %parallel_loop3A_481, %parallel_loop3A_482 : vector<16xi32>
      %parallel_loop3A_484 = arith.constant 0 : i32
      %parallel_loop3A_485 = vector.broadcast %parallel_loop3A_484 : i32 to vector<16xi32>
      %parallel_loop3A_486 = tpu.vector_load_idx %arg19[%parallel_loop3A_483, %iota3A, %parallel_loop3A_485] : memref<8x16x16xf32, #tpu.memory_space<vmem>>[vector<16xi32>, vector<16xi32>, vector<16xi32>], vector<16xf32>,
      %parallel_loop3A_487 = arith.constant 1 : i32
      %parallel_loop3A_488 = vector.broadcast %parallel_loop3A_487 : i32 to vector<16xi32>
      %parallel_loop3A_489 = tpu.vector_load_idx %arg19[%parallel_loop3A_483, %iota3A, %parallel_loop3A_488] : memref<8x16x16xf32, #tpu.memory_space<vmem>>[vector<16xi32>, vector<16xi32>, vector<16xi32>], vector<16xf32>,
      %parallel_loop3A_490 = arith.constant 2 : i32
      %parallel_loop3A_491 = vector.broadcast %parallel_loop3A_490 : i32 to vector<16xi32>
      %parallel_loop3A_492 = tpu.vector_load_idx %arg19[%parallel_loop3A_483, %iota3A, %parallel_loop3A_491] : memref<8x16x16xf32, #tpu.memory_space<vmem>>[vector<16xi32>, vector<16xi32>, vector<16xi32>], vector<16xf32>,
      %parallel_loop3A_493 = arith.constant 3 : i32
      %parallel_loop3A_494 = vector.broadcast %parallel_loop3A_493 : i32 to vector<16xi32>
      %parallel_loop3A_495 = tpu.vector_load_idx %arg19[%parallel_loop3A_483, %iota3A, %parallel_loop3A_494] : memref<8x16x16xf32, #tpu.memory_space<vmem>>[vector<16xi32>, vector<16xi32>, vector<16xi32>], vector<16xf32>,
      %parallel_loop3A_496 = arith.constant 4 : i32
      %parallel_loop3A_497 = vector.broadcast %parallel_loop3A_496 : i32 to vector<16xi32>
      %parallel_loop3A_498 = tpu.vector_load_idx %arg19[%parallel_loop3A_483, %iota3A, %parallel_loop3A_497] : memref<8x16x16xf32, #tpu.memory_space<vmem>>[vector<16xi32>, vector<16xi32>, vector<16xi32>], vector<16xf32>,
      %parallel_loop3A_499 = arith.constant 5 : i32
      %parallel_loop3A_500 = vector.broadcast %parallel_loop3A_499 : i32 to vector<16xi32>
      %parallel_loop3A_501 = tpu.vector_load_idx %arg19[%parallel_loop3A_483, %iota3A, %parallel_loop3A_500] : memref<8x16x16xf32, #tpu.memory_space<vmem>>[vector<16xi32>, vector<16xi32>, vector<16xi32>], vector<16xf32>,
      %parallel_loop3A_502 = arith.constant 6 : i32
      %parallel_loop3A_503 = vector.broadcast %parallel_loop3A_502 : i32 to vector<16xi32>
      %parallel_loop3A_504 = tpu.vector_load_idx %arg19[%parallel_loop3A_483, %iota3A, %parallel_loop3A_503] : memref<8x16x16xf32, #tpu.memory_space<vmem>>[vector<16xi32>, vector<16xi32>, vector<16xi32>], vector<16xf32>,
      %parallel_loop3A_505 = arith.constant 7 : i32
      %parallel_loop3A_506 = vector.broadcast %parallel_loop3A_505 : i32 to vector<16xi32>
      %parallel_loop3A_507 = tpu.vector_load_idx %arg19[%parallel_loop3A_483, %iota3A, %parallel_loop3A_506] : memref<8x16x16xf32, #tpu.memory_space<vmem>>[vector<16xi32>, vector<16xi32>, vector<16xi32>], vector<16xf32>,
      %parallel_loop3A_508 = arith.constant 8 : i32
      %parallel_loop3A_509 = vector.broadcast %parallel_loop3A_508 : i32 to vector<16xi32>
      %parallel_loop3A_510 = tpu.vector_load_idx %arg19[%parallel_loop3A_483, %iota3A, %parallel_loop3A_509] : memref<8x16x16xf32, #tpu.memory_space<vmem>>[vector<16xi32>, vector<16xi32>, vector<16xi32>], vector<16xf32>,
      %parallel_loop3A_511 = arith.constant 9 : i32
      %parallel_loop3A_512 = vector.broadcast %parallel_loop3A_511 : i32 to vector<16xi32>
      %parallel_loop3A_513 = tpu.vector_load_idx %arg19[%parallel_loop3A_483, %iota3A, %parallel_loop3A_512] : memref<8x16x16xf32, #tpu.memory_space<vmem>>[vector<16xi32>, vector<16xi32>, vector<16xi32>], vector<16xf32>,
      %parallel_loop3A_514 = arith.constant 10 : i32
      %parallel_loop3A_515 = vector.broadcast %parallel_loop3A_514 : i32 to vector<16xi32>
      %parallel_loop3A_516 = tpu.vector_load_idx %arg19[%parallel_loop3A_483, %iota3A, %parallel_loop3A_515] : memref<8x16x16xf32, #tpu.memory_space<vmem>>[vector<16xi32>, vector<16xi32>, vector<16xi32>], vector<16xf32>,
      %parallel_loop3A_517 = arith.constant 11 : i32
      %parallel_loop3A_518 = vector.broadcast %parallel_loop3A_517 : i32 to vector<16xi32>
      %parallel_loop3A_519 = tpu.vector_load_idx %arg19[%parallel_loop3A_483, %iota3A, %parallel_loop3A_518] : memref<8x16x16xf32, #tpu.memory_space<vmem>>[vector<16xi32>, vector<16xi32>, vector<16xi32>], vector<16xf32>,
      %parallel_loop3A_520 = arith.constant 12 : i32
      %parallel_loop3A_521 = vector.broadcast %parallel_loop3A_520 : i32 to vector<16xi32>
      %parallel_loop3A_522 = tpu.vector_load_idx %arg19[%parallel_loop3A_483, %iota3A, %parallel_loop3A_521] : memref<8x16x16xf32, #tpu.memory_space<vmem>>[vector<16xi32>, vector<16xi32>, vector<16xi32>], vector<16xf32>,
      %parallel_loop3A_523 = arith.constant 13 : i32
      %parallel_loop3A_524 = vector.broadcast %parallel_loop3A_523 : i32 to vector<16xi32>
      %parallel_loop3A_525 = tpu.vector_load_idx %arg19[%parallel_loop3A_483, %iota3A, %parallel_loop3A_524] : memref<8x16x16xf32, #tpu.memory_space<vmem>>[vector<16xi32>, vector<16xi32>, vector<16xi32>], vector<16xf32>,
      %parallel_loop3A_526 = arith.constant 14 : i32
      %parallel_loop3A_527 = vector.broadcast %parallel_loop3A_526 : i32 to vector<16xi32>
      %parallel_loop3A_528 = tpu.vector_load_idx %arg19[%parallel_loop3A_483, %iota3A, %parallel_loop3A_527] : memref<8x16x16xf32, #tpu.memory_space<vmem>>[vector<16xi32>, vector<16xi32>, vector<16xi32>], vector<16xf32>,
      %parallel_loop3A_529 = arith.constant 15 : i32
      %parallel_loop3A_530 = vector.broadcast %parallel_loop3A_529 : i32 to vector<16xi32>
      %parallel_loop3A_531 = tpu.vector_load_idx %arg19[%parallel_loop3A_483, %iota3A, %parallel_loop3A_530] : memref<8x16x16xf32, #tpu.memory_space<vmem>>[vector<16xi32>, vector<16xi32>, vector<16xi32>], vector<16xf32>,
      %parallel_loop3A_532 = arith.addf %parallel_loop3A_486, %parallel_loop3A_489 : vector<16xf32>
      %parallel_loop3A_533 = arith.addf %parallel_loop3A_492, %parallel_loop3A_495 : vector<16xf32>
      %parallel_loop3A_534 = arith.addf %parallel_loop3A_498, %parallel_loop3A_501 : vector<16xf32>
      %parallel_loop3A_535 = arith.addf %parallel_loop3A_504, %parallel_loop3A_507 : vector<16xf32>
      %parallel_loop3A_536 = arith.addf %parallel_loop3A_510, %parallel_loop3A_513 : vector<16xf32>
      %parallel_loop3A_537 = arith.addf %parallel_loop3A_516, %parallel_loop3A_519 : vector<16xf32>
      %parallel_loop3A_538 = arith.addf %parallel_loop3A_522, %parallel_loop3A_525 : vector<16xf32>
      %parallel_loop3A_539 = arith.addf %parallel_loop3A_528, %parallel_loop3A_531 : vector<16xf32>
      %parallel_loop3A_540 = arith.addf %parallel_loop3A_532, %parallel_loop3A_533 : vector<16xf32>
      %parallel_loop3A_541 = arith.addf %parallel_loop3A_534, %parallel_loop3A_535 : vector<16xf32>
      %parallel_loop3A_542 = arith.addf %parallel_loop3A_536, %parallel_loop3A_537 : vector<16xf32>
      %parallel_loop3A_543 = arith.addf %parallel_loop3A_538, %parallel_loop3A_539 : vector<16xf32>
      %parallel_loop3A_544 = arith.addf %parallel_loop3A_540, %parallel_loop3A_541 : vector<16xf32>
      %parallel_loop3A_545 = arith.addf %parallel_loop3A_542, %parallel_loop3A_543 : vector<16xf32>
      %parallel_loop3A_546 = arith.addf %parallel_loop3A_544, %parallel_loop3A_545 : vector<16xf32>
      %parallel_loop3A_547 = arith.index_cast %parallel_loop3A_474 : i32 to index
      %parallel_loop3A_548 = tpu.vector_load %arg20[%parallel_loop3A_547] {strides = array<i32>} : memref<512xf32, #tpu.memory_space<vmem>>, vector<16xf32>,
      tpu.vector_store %arg20[%parallel_loop3A_547], %parallel_loop3A_546 {strides = array<i32>} : memref<512xf32, #tpu.memory_space<vmem>>, vector<16xf32>,
    } {sc.loop_unroll_factor = 1 : i64, sc.parallel_access}
    %dma_wait3A_107 = arith.constant 0 : i32
    %dma_wait3A_108 = arith.constant 0 : i32
    %dma_wait3A_109 = tpu.memref_slice %arg6[%dma_wait3A_107, %dma_wait3A_108] : memref<1x100000xf32, #tpu.memory_space<hbm>> -> memref<1x100000xf32, #tpu.memory_space<hbm>>
    %dma_wait3A_110 = tpu.memref_squeeze %dma_wait3A_109 : memref<1x100000xf32, #tpu.memory_space<hbm>> -> memref<100000xf32, #tpu.memory_space<hbm>>
    %dma_wait3A_111 = arith.constant 0 : i32
    %dma_wait3A_112 = tpu.memref_slice %dma_wait3A_110[%dma_wait3A_111] : memref<100000xf32, #tpu.memory_space<hbm>> -> memref<100000xf32, #tpu.memory_space<hbm>>
    tpu.wait_indirect_dma semaphore(%arg23 : memref<!tpu.dma_semaphore, #tpu.memory_space<semaphore_mem>>) src(%dma_wait3A_112 : memref<100000xf32, #tpu.memory_space<hbm>>) dst(%arg12 : memref<512xf32, #tpu.memory_space<vmem>>)
    %dma_wait3A_113 = arith.constant 0 : i32
    %dma_wait3A_114 = arith.constant 0 : i32
    %dma_wait3A_115 = tpu.memref_slice %arg7[%dma_wait3A_113, %dma_wait3A_114] : memref<1x100000xf32, #tpu.memory_space<hbm>> -> memref<1x100000xf32, #tpu.memory_space<hbm>>
    %dma_wait3A_116 = tpu.memref_squeeze %dma_wait3A_115 : memref<1x100000xf32, #tpu.memory_space<hbm>> -> memref<100000xf32, #tpu.memory_space<hbm>>
    %dma_wait3A_117 = arith.constant 0 : i32
    %dma_wait3A_118 = tpu.memref_slice %dma_wait3A_116[%dma_wait3A_117] : memref<100000xf32, #tpu.memory_space<hbm>> -> memref<100000xf32, #tpu.memory_space<hbm>>
    tpu.wait_indirect_dma semaphore(%arg23 : memref<!tpu.dma_semaphore, #tpu.memory_space<semaphore_mem>>) src(%dma_wait3A_118 : memref<100000xf32, #tpu.memory_space<hbm>>) dst(%arg13 : memref<512xf32, #tpu.memory_space<vmem>>)
    %gather3A = tpu.vector_load_idx %arg14[%broadcast_in_dim3A_16] : memref<1xf32, #tpu.memory_space<vmem>>[vector<16xi32>], vector<16xf32>,
    %get3A = arith.constant 0 : index
    %get3A_119 = tpu.vector_load %arg20[%get3A] {strides = array<i32>} : memref<512xf32, #tpu.memory_space<vmem>>, vector<16xf32>,
    %get3A_120 = arith.constant 0 : index
    %get3A_121 = tpu.vector_load %arg12[%get3A_120] {strides = array<i32>} : memref<512xf32, #tpu.memory_space<vmem>>, vector<16xf32>,
    %add3A_122 = arith.addf %get3A_119, %get3A_121 : vector<16xf32>
    %get3A_123 = arith.constant 0 : index
    %get3A_124 = tpu.vector_load %arg13[%get3A_123] {strides = array<i32>} : memref<512xf32, #tpu.memory_space<vmem>>, vector<16xf32>,
    %add3A_125 = arith.addf %add3A_122, %get3A_124 : vector<16xf32>
    %add3A_126 = arith.addf %add3A_125, %gather3A : vector<16xf32>
    %swap3A = arith.constant 0 : index
    %swap3A_127 = tpu.vector_load %arg20[%swap3A] {strides = array<i32>} : memref<512xf32, #tpu.memory_space<vmem>>, vector<16xf32>,
    tpu.vector_store %arg20[%swap3A], %add3A_126 {strides = array<i32>} : memref<512xf32, #tpu.memory_space<vmem>>, vector<16xf32>,
    %get3A_128 = arith.constant 16 : index
    %get3A_129 = tpu.vector_load %arg20[%get3A_128] {strides = array<i32>} : memref<512xf32, #tpu.memory_space<vmem>>, vector<16xf32>,
    %get3A_130 = arith.constant 16 : index
    %get3A_131 = tpu.vector_load %arg12[%get3A_130] {strides = array<i32>} : memref<512xf32, #tpu.memory_space<vmem>>, vector<16xf32>,
    %add3A_132 = arith.addf %get3A_129, %get3A_131 : vector<16xf32>
    %get3A_133 = arith.constant 16 : index
    %get3A_134 = tpu.vector_load %arg13[%get3A_133] {strides = array<i32>} : memref<512xf32, #tpu.memory_space<vmem>>, vector<16xf32>,
    %add3A_135 = arith.addf %add3A_132, %get3A_134 : vector<16xf32>
    %add3A_136 = arith.addf %add3A_135, %gather3A : vector<16xf32>
    %swap3A_137 = arith.constant 16 : index
    %swap3A_138 = tpu.vector_load %arg20[%swap3A_137] {strides = array<i32>} : memref<512xf32, #tpu.memory_space<vmem>>, vector<16xf32>,
    tpu.vector_store %arg20[%swap3A_137], %add3A_136 {strides = array<i32>} : memref<512xf32, #tpu.memory_space<vmem>>, vector<16xf32>,
    %get3A_139 = arith.constant 32 : index
    %get3A_140 = tpu.vector_load %arg20[%get3A_139] {strides = array<i32>} : memref<512xf32, #tpu.memory_space<vmem>>, vector<16xf32>,
    %get3A_141 = arith.constant 32 : index
    %get3A_142 = tpu.vector_load %arg12[%get3A_141] {strides = array<i32>} : memref<512xf32, #tpu.memory_space<vmem>>, vector<16xf32>,
    %add3A_143 = arith.addf %get3A_140, %get3A_142 : vector<16xf32>
    %get3A_144 = arith.constant 32 : index
    %get3A_145 = tpu.vector_load %arg13[%get3A_144] {strides = array<i32>} : memref<512xf32, #tpu.memory_space<vmem>>, vector<16xf32>,
    %add3A_146 = arith.addf %add3A_143, %get3A_145 : vector<16xf32>
    %add3A_147 = arith.addf %add3A_146, %gather3A : vector<16xf32>
    %swap3A_148 = arith.constant 32 : index
    %swap3A_149 = tpu.vector_load %arg20[%swap3A_148] {strides = array<i32>} : memref<512xf32, #tpu.memory_space<vmem>>, vector<16xf32>,
    tpu.vector_store %arg20[%swap3A_148], %add3A_147 {strides = array<i32>} : memref<512xf32, #tpu.memory_space<vmem>>, vector<16xf32>,
    %get3A_150 = arith.constant 48 : index
    %get3A_151 = tpu.vector_load %arg20[%get3A_150] {strides = array<i32>} : memref<512xf32, #tpu.memory_space<vmem>>, vector<16xf32>,
    %get3A_152 = arith.constant 48 : index
    %get3A_153 = tpu.vector_load %arg12[%get3A_152] {strides = array<i32>} : memref<512xf32, #tpu.memory_space<vmem>>, vector<16xf32>,
    %add3A_154 = arith.addf %get3A_151, %get3A_153 : vector<16xf32>
    %get3A_155 = arith.constant 48 : index
    %get3A_156 = tpu.vector_load %arg13[%get3A_155] {strides = array<i32>} : memref<512xf32, #tpu.memory_space<vmem>>, vector<16xf32>,
    %add3A_157 = arith.addf %add3A_154, %get3A_156 : vector<16xf32>
    %add3A_158 = arith.addf %add3A_157, %gather3A : vector<16xf32>
    %swap3A_159 = arith.constant 48 : index
    %swap3A_160 = tpu.vector_load %arg20[%swap3A_159] {strides = array<i32>} : memref<512xf32, #tpu.memory_space<vmem>>, vector<16xf32>,
    tpu.vector_store %arg20[%swap3A_159], %add3A_158 {strides = array<i32>} : memref<512xf32, #tpu.memory_space<vmem>>, vector<16xf32>,
    %get3A_161 = arith.constant 64 : index
    %get3A_162 = tpu.vector_load %arg20[%get3A_161] {strides = array<i32>} : memref<512xf32, #tpu.memory_space<vmem>>, vector<16xf32>,
    %get3A_163 = arith.constant 64 : index
    %get3A_164 = tpu.vector_load %arg12[%get3A_163] {strides = array<i32>} : memref<512xf32, #tpu.memory_space<vmem>>, vector<16xf32>,
    %add3A_165 = arith.addf %get3A_162, %get3A_164 : vector<16xf32>
    %get3A_166 = arith.constant 64 : index
    %get3A_167 = tpu.vector_load %arg13[%get3A_166] {strides = array<i32>} : memref<512xf32, #tpu.memory_space<vmem>>, vector<16xf32>,
    %add3A_168 = arith.addf %add3A_165, %get3A_167 : vector<16xf32>
    %add3A_169 = arith.addf %add3A_168, %gather3A : vector<16xf32>
    %swap3A_170 = arith.constant 64 : index
    %swap3A_171 = tpu.vector_load %arg20[%swap3A_170] {strides = array<i32>} : memref<512xf32, #tpu.memory_space<vmem>>, vector<16xf32>,
    tpu.vector_store %arg20[%swap3A_170], %add3A_169 {strides = array<i32>} : memref<512xf32, #tpu.memory_space<vmem>>, vector<16xf32>,
    %get3A_172 = arith.constant 80 : index
    %get3A_173 = tpu.vector_load %arg20[%get3A_172] {strides = array<i32>} : memref<512xf32, #tpu.memory_space<vmem>>, vector<16xf32>,
    %get3A_174 = arith.constant 80 : index
    %get3A_175 = tpu.vector_load %arg12[%get3A_174] {strides = array<i32>} : memref<512xf32, #tpu.memory_space<vmem>>, vector<16xf32>,
    %add3A_176 = arith.addf %get3A_173, %get3A_175 : vector<16xf32>
    %get3A_177 = arith.constant 80 : index
    %get3A_178 = tpu.vector_load %arg13[%get3A_177] {strides = array<i32>} : memref<512xf32, #tpu.memory_space<vmem>>, vector<16xf32>,
    %add3A_179 = arith.addf %add3A_176, %get3A_178 : vector<16xf32>
    %add3A_180 = arith.addf %add3A_179, %gather3A : vector<16xf32>
    %swap3A_181 = arith.constant 80 : index
    %swap3A_182 = tpu.vector_load %arg20[%swap3A_181] {strides = array<i32>} : memref<512xf32, #tpu.memory_space<vmem>>, vector<16xf32>,
    tpu.vector_store %arg20[%swap3A_181], %add3A_180 {strides = array<i32>} : memref<512xf32, #tpu.memory_space<vmem>>, vector<16xf32>,
    %get3A_183 = arith.constant 96 : index
    %get3A_184 = tpu.vector_load %arg20[%get3A_183] {strides = array<i32>} : memref<512xf32, #tpu.memory_space<vmem>>, vector<16xf32>,
    %get3A_185 = arith.constant 96 : index
    %get3A_186 = tpu.vector_load %arg12[%get3A_185] {strides = array<i32>} : memref<512xf32, #tpu.memory_space<vmem>>, vector<16xf32>,
    %add3A_187 = arith.addf %get3A_184, %get3A_186 : vector<16xf32>
    %get3A_188 = arith.constant 96 : index
    %get3A_189 = tpu.vector_load %arg13[%get3A_188] {strides = array<i32>} : memref<512xf32, #tpu.memory_space<vmem>>, vector<16xf32>,
    %add3A_190 = arith.addf %add3A_187, %get3A_189 : vector<16xf32>
    %add3A_191 = arith.addf %add3A_190, %gather3A : vector<16xf32>
    %swap3A_192 = arith.constant 96 : index
    %swap3A_193 = tpu.vector_load %arg20[%swap3A_192] {strides = array<i32>} : memref<512xf32, #tpu.memory_space<vmem>>, vector<16xf32>,
    tpu.vector_store %arg20[%swap3A_192], %add3A_191 {strides = array<i32>} : memref<512xf32, #tpu.memory_space<vmem>>, vector<16xf32>,
    %get3A_194 = arith.constant 112 : index
    %get3A_195 = tpu.vector_load %arg20[%get3A_194] {strides = array<i32>} : memref<512xf32, #tpu.memory_space<vmem>>, vector<16xf32>,
    %get3A_196 = arith.constant 112 : index
    %get3A_197 = tpu.vector_load %arg12[%get3A_196] {strides = array<i32>} : memref<512xf32, #tpu.memory_space<vmem>>, vector<16xf32>,
    %add3A_198 = arith.addf %get3A_195, %get3A_197 : vector<16xf32>
    %get3A_199 = arith.constant 112 : index
    %get3A_200 = tpu.vector_load %arg13[%get3A_199] {strides = array<i32>} : memref<512xf32, #tpu.memory_space<vmem>>, vector<16xf32>,
    %add3A_201 = arith.addf %add3A_198, %get3A_200 : vector<16xf32>
    %add3A_202 = arith.addf %add3A_201, %gather3A : vector<16xf32>
    %swap3A_203 = arith.constant 112 : index
    %swap3A_204 = tpu.vector_load %arg20[%swap3A_203] {strides = array<i32>} : memref<512xf32, #tpu.memory_space<vmem>>, vector<16xf32>,
    tpu.vector_store %arg20[%swap3A_203], %add3A_202 {strides = array<i32>} : memref<512xf32, #tpu.memory_space<vmem>>, vector<16xf32>,
    %get3A_205 = arith.constant 128 : index
    %get3A_206 = tpu.vector_load %arg20[%get3A_205] {strides = array<i32>} : memref<512xf32, #tpu.memory_space<vmem>>, vector<16xf32>,
    %get3A_207 = arith.constant 128 : index
    %get3A_208 = tpu.vector_load %arg12[%get3A_207] {strides = array<i32>} : memref<512xf32, #tpu.memory_space<vmem>>, vector<16xf32>,
    %add3A_209 = arith.addf %get3A_206, %get3A_208 : vector<16xf32>
    %get3A_210 = arith.constant 128 : index
    %get3A_211 = tpu.vector_load %arg13[%get3A_210] {strides = array<i32>} : memref<512xf32, #tpu.memory_space<vmem>>, vector<16xf32>,
    %add3A_212 = arith.addf %add3A_209, %get3A_211 : vector<16xf32>
    %add3A_213 = arith.addf %add3A_212, %gather3A : vector<16xf32>
    %swap3A_214 = arith.constant 128 : index
    %swap3A_215 = tpu.vector_load %arg20[%swap3A_214] {strides = array<i32>} : memref<512xf32, #tpu.memory_space<vmem>>, vector<16xf32>,
    tpu.vector_store %arg20[%swap3A_214], %add3A_213 {strides = array<i32>} : memref<512xf32, #tpu.memory_space<vmem>>, vector<16xf32>,
    %get3A_216 = arith.constant 144 : index
    %get3A_217 = tpu.vector_load %arg20[%get3A_216] {strides = array<i32>} : memref<512xf32, #tpu.memory_space<vmem>>, vector<16xf32>,
    %get3A_218 = arith.constant 144 : index
    %get3A_219 = tpu.vector_load %arg12[%get3A_218] {strides = array<i32>} : memref<512xf32, #tpu.memory_space<vmem>>, vector<16xf32>,
    %add3A_220 = arith.addf %get3A_217, %get3A_219 : vector<16xf32>
    %get3A_221 = arith.constant 144 : index
    %get3A_222 = tpu.vector_load %arg13[%get3A_221] {strides = array<i32>} : memref<512xf32, #tpu.memory_space<vmem>>, vector<16xf32>,
    %add3A_223 = arith.addf %add3A_220, %get3A_222 : vector<16xf32>
    %add3A_224 = arith.addf %add3A_223, %gather3A : vector<16xf32>
    %swap3A_225 = arith.constant 144 : index
    %swap3A_226 = tpu.vector_load %arg20[%swap3A_225] {strides = array<i32>} : memref<512xf32, #tpu.memory_space<vmem>>, vector<16xf32>,
    tpu.vector_store %arg20[%swap3A_225], %add3A_224 {strides = array<i32>} : memref<512xf32, #tpu.memory_space<vmem>>, vector<16xf32>,
    %get3A_227 = arith.constant 160 : index
    %get3A_228 = tpu.vector_load %arg20[%get3A_227] {strides = array<i32>} : memref<512xf32, #tpu.memory_space<vmem>>, vector<16xf32>,
    %get3A_229 = arith.constant 160 : index
    %get3A_230 = tpu.vector_load %arg12[%get3A_229] {strides = array<i32>} : memref<512xf32, #tpu.memory_space<vmem>>, vector<16xf32>,
    %add3A_231 = arith.addf %get3A_228, %get3A_230 : vector<16xf32>
    %get3A_232 = arith.constant 160 : index
    %get3A_233 = tpu.vector_load %arg13[%get3A_232] {strides = array<i32>} : memref<512xf32, #tpu.memory_space<vmem>>, vector<16xf32>,
    %add3A_234 = arith.addf %add3A_231, %get3A_233 : vector<16xf32>
    %add3A_235 = arith.addf %add3A_234, %gather3A : vector<16xf32>
    %swap3A_236 = arith.constant 160 : index
    %swap3A_237 = tpu.vector_load %arg20[%swap3A_236] {strides = array<i32>} : memref<512xf32, #tpu.memory_space<vmem>>, vector<16xf32>,
    tpu.vector_store %arg20[%swap3A_236], %add3A_235 {strides = array<i32>} : memref<512xf32, #tpu.memory_space<vmem>>, vector<16xf32>,
    %get3A_238 = arith.constant 176 : index
    %get3A_239 = tpu.vector_load %arg20[%get3A_238] {strides = array<i32>} : memref<512xf32, #tpu.memory_space<vmem>>, vector<16xf32>,
    %get3A_240 = arith.constant 176 : index
    %get3A_241 = tpu.vector_load %arg12[%get3A_240] {strides = array<i32>} : memref<512xf32, #tpu.memory_space<vmem>>, vector<16xf32>,
    %add3A_242 = arith.addf %get3A_239, %get3A_241 : vector<16xf32>
    %get3A_243 = arith.constant 176 : index
    %get3A_244 = tpu.vector_load %arg13[%get3A_243] {strides = array<i32>} : memref<512xf32, #tpu.memory_space<vmem>>, vector<16xf32>,
    %add3A_245 = arith.addf %add3A_242, %get3A_244 : vector<16xf32>
    %add3A_246 = arith.addf %add3A_245, %gather3A : vector<16xf32>
    %swap3A_247 = arith.constant 176 : index
    %swap3A_248 = tpu.vector_load %arg20[%swap3A_247] {strides = array<i32>} : memref<512xf32, #tpu.memory_space<vmem>>, vector<16xf32>,
    tpu.vector_store %arg20[%swap3A_247], %add3A_246 {strides = array<i32>} : memref<512xf32, #tpu.memory_space<vmem>>, vector<16xf32>,
    %get3A_249 = arith.constant 192 : index
    %get3A_250 = tpu.vector_load %arg20[%get3A_249] {strides = array<i32>} : memref<512xf32, #tpu.memory_space<vmem>>, vector<16xf32>,
    %get3A_251 = arith.constant 192 : index
    %get3A_252 = tpu.vector_load %arg12[%get3A_251] {strides = array<i32>} : memref<512xf32, #tpu.memory_space<vmem>>, vector<16xf32>,
    %add3A_253 = arith.addf %get3A_250, %get3A_252 : vector<16xf32>
    %get3A_254 = arith.constant 192 : index
    %get3A_255 = tpu.vector_load %arg13[%get3A_254] {strides = array<i32>} : memref<512xf32, #tpu.memory_space<vmem>>, vector<16xf32>,
    %add3A_256 = arith.addf %add3A_253, %get3A_255 : vector<16xf32>
    %add3A_257 = arith.addf %add3A_256, %gather3A : vector<16xf32>
    %swap3A_258 = arith.constant 192 : index
    %swap3A_259 = tpu.vector_load %arg20[%swap3A_258] {strides = array<i32>} : memref<512xf32, #tpu.memory_space<vmem>>, vector<16xf32>,
    tpu.vector_store %arg20[%swap3A_258], %add3A_257 {strides = array<i32>} : memref<512xf32, #tpu.memory_space<vmem>>, vector<16xf32>,
    %get3A_260 = arith.constant 208 : index
    %get3A_261 = tpu.vector_load %arg20[%get3A_260] {strides = array<i32>} : memref<512xf32, #tpu.memory_space<vmem>>, vector<16xf32>,
    %get3A_262 = arith.constant 208 : index
    %get3A_263 = tpu.vector_load %arg12[%get3A_262] {strides = array<i32>} : memref<512xf32, #tpu.memory_space<vmem>>, vector<16xf32>,
    %add3A_264 = arith.addf %get3A_261, %get3A_263 : vector<16xf32>
    %get3A_265 = arith.constant 208 : index
    %get3A_266 = tpu.vector_load %arg13[%get3A_265] {strides = array<i32>} : memref<512xf32, #tpu.memory_space<vmem>>, vector<16xf32>,
    %add3A_267 = arith.addf %add3A_264, %get3A_266 : vector<16xf32>
    %add3A_268 = arith.addf %add3A_267, %gather3A : vector<16xf32>
    %swap3A_269 = arith.constant 208 : index
    %swap3A_270 = tpu.vector_load %arg20[%swap3A_269] {strides = array<i32>} : memref<512xf32, #tpu.memory_space<vmem>>, vector<16xf32>,
    tpu.vector_store %arg20[%swap3A_269], %add3A_268 {strides = array<i32>} : memref<512xf32, #tpu.memory_space<vmem>>, vector<16xf32>,
    %get3A_271 = arith.constant 224 : index
    %get3A_272 = tpu.vector_load %arg20[%get3A_271] {strides = array<i32>} : memref<512xf32, #tpu.memory_space<vmem>>, vector<16xf32>,
    %get3A_273 = arith.constant 224 : index
    %get3A_274 = tpu.vector_load %arg12[%get3A_273] {strides = array<i32>} : memref<512xf32, #tpu.memory_space<vmem>>, vector<16xf32>,
    %add3A_275 = arith.addf %get3A_272, %get3A_274 : vector<16xf32>
    %get3A_276 = arith.constant 224 : index
    %get3A_277 = tpu.vector_load %arg13[%get3A_276] {strides = array<i32>} : memref<512xf32, #tpu.memory_space<vmem>>, vector<16xf32>,
    %add3A_278 = arith.addf %add3A_275, %get3A_277 : vector<16xf32>
    %add3A_279 = arith.addf %add3A_278, %gather3A : vector<16xf32>
    %swap3A_280 = arith.constant 224 : index
    %swap3A_281 = tpu.vector_load %arg20[%swap3A_280] {strides = array<i32>} : memref<512xf32, #tpu.memory_space<vmem>>, vector<16xf32>,
    tpu.vector_store %arg20[%swap3A_280], %add3A_279 {strides = array<i32>} : memref<512xf32, #tpu.memory_space<vmem>>, vector<16xf32>,
    %get3A_282 = arith.constant 240 : index
    %get3A_283 = tpu.vector_load %arg20[%get3A_282] {strides = array<i32>} : memref<512xf32, #tpu.memory_space<vmem>>, vector<16xf32>,
    %get3A_284 = arith.constant 240 : index
    %get3A_285 = tpu.vector_load %arg12[%get3A_284] {strides = array<i32>} : memref<512xf32, #tpu.memory_space<vmem>>, vector<16xf32>,
    %add3A_286 = arith.addf %get3A_283, %get3A_285 : vector<16xf32>
    %get3A_287 = arith.constant 240 : index
    %get3A_288 = tpu.vector_load %arg13[%get3A_287] {strides = array<i32>} : memref<512xf32, #tpu.memory_space<vmem>>, vector<16xf32>,
    %add3A_289 = arith.addf %add3A_286, %get3A_288 : vector<16xf32>
    %add3A_290 = arith.addf %add3A_289, %gather3A : vector<16xf32>
    %swap3A_291 = arith.constant 240 : index
    %swap3A_292 = tpu.vector_load %arg20[%swap3A_291] {strides = array<i32>} : memref<512xf32, #tpu.memory_space<vmem>>, vector<16xf32>,
    tpu.vector_store %arg20[%swap3A_291], %add3A_290 {strides = array<i32>} : memref<512xf32, #tpu.memory_space<vmem>>, vector<16xf32>,
    %get3A_293 = arith.constant 256 : index
    %get3A_294 = tpu.vector_load %arg20[%get3A_293] {strides = array<i32>} : memref<512xf32, #tpu.memory_space<vmem>>, vector<16xf32>,
    %get3A_295 = arith.constant 256 : index
    %get3A_296 = tpu.vector_load %arg12[%get3A_295] {strides = array<i32>} : memref<512xf32, #tpu.memory_space<vmem>>, vector<16xf32>,
    %add3A_297 = arith.addf %get3A_294, %get3A_296 : vector<16xf32>
    %get3A_298 = arith.constant 256 : index
    %get3A_299 = tpu.vector_load %arg13[%get3A_298] {strides = array<i32>} : memref<512xf32, #tpu.memory_space<vmem>>, vector<16xf32>,
    %add3A_300 = arith.addf %add3A_297, %get3A_299 : vector<16xf32>
    %add3A_301 = arith.addf %add3A_300, %gather3A : vector<16xf32>
    %swap3A_302 = arith.constant 256 : index
    %swap3A_303 = tpu.vector_load %arg20[%swap3A_302] {strides = array<i32>} : memref<512xf32, #tpu.memory_space<vmem>>, vector<16xf32>,
    tpu.vector_store %arg20[%swap3A_302], %add3A_301 {strides = array<i32>} : memref<512xf32, #tpu.memory_space<vmem>>, vector<16xf32>,
    %get3A_304 = arith.constant 272 : index
    %get3A_305 = tpu.vector_load %arg20[%get3A_304] {strides = array<i32>} : memref<512xf32, #tpu.memory_space<vmem>>, vector<16xf32>,
    %get3A_306 = arith.constant 272 : index
    %get3A_307 = tpu.vector_load %arg12[%get3A_306] {strides = array<i32>} : memref<512xf32, #tpu.memory_space<vmem>>, vector<16xf32>,
    %add3A_308 = arith.addf %get3A_305, %get3A_307 : vector<16xf32>
    %get3A_309 = arith.constant 272 : index
    %get3A_310 = tpu.vector_load %arg13[%get3A_309] {strides = array<i32>} : memref<512xf32, #tpu.memory_space<vmem>>, vector<16xf32>,
    %add3A_311 = arith.addf %add3A_308, %get3A_310 : vector<16xf32>
    %add3A_312 = arith.addf %add3A_311, %gather3A : vector<16xf32>
    %swap3A_313 = arith.constant 272 : index
    %swap3A_314 = tpu.vector_load %arg20[%swap3A_313] {strides = array<i32>} : memref<512xf32, #tpu.memory_space<vmem>>, vector<16xf32>,
    tpu.vector_store %arg20[%swap3A_313], %add3A_312 {strides = array<i32>} : memref<512xf32, #tpu.memory_space<vmem>>, vector<16xf32>,
    %get3A_315 = arith.constant 288 : index
    %get3A_316 = tpu.vector_load %arg20[%get3A_315] {strides = array<i32>} : memref<512xf32, #tpu.memory_space<vmem>>, vector<16xf32>,
    %get3A_317 = arith.constant 288 : index
    %get3A_318 = tpu.vector_load %arg12[%get3A_317] {strides = array<i32>} : memref<512xf32, #tpu.memory_space<vmem>>, vector<16xf32>,
    %add3A_319 = arith.addf %get3A_316, %get3A_318 : vector<16xf32>
    %get3A_320 = arith.constant 288 : index
    %get3A_321 = tpu.vector_load %arg13[%get3A_320] {strides = array<i32>} : memref<512xf32, #tpu.memory_space<vmem>>, vector<16xf32>,
    %add3A_322 = arith.addf %add3A_319, %get3A_321 : vector<16xf32>
    %add3A_323 = arith.addf %add3A_322, %gather3A : vector<16xf32>
    %swap3A_324 = arith.constant 288 : index
    %swap3A_325 = tpu.vector_load %arg20[%swap3A_324] {strides = array<i32>} : memref<512xf32, #tpu.memory_space<vmem>>, vector<16xf32>,
    tpu.vector_store %arg20[%swap3A_324], %add3A_323 {strides = array<i32>} : memref<512xf32, #tpu.memory_space<vmem>>, vector<16xf32>,
    %get3A_326 = arith.constant 304 : index
    %get3A_327 = tpu.vector_load %arg20[%get3A_326] {strides = array<i32>} : memref<512xf32, #tpu.memory_space<vmem>>, vector<16xf32>,
    %get3A_328 = arith.constant 304 : index
    %get3A_329 = tpu.vector_load %arg12[%get3A_328] {strides = array<i32>} : memref<512xf32, #tpu.memory_space<vmem>>, vector<16xf32>,
    %add3A_330 = arith.addf %get3A_327, %get3A_329 : vector<16xf32>
    %get3A_331 = arith.constant 304 : index
    %get3A_332 = tpu.vector_load %arg13[%get3A_331] {strides = array<i32>} : memref<512xf32, #tpu.memory_space<vmem>>, vector<16xf32>,
    %add3A_333 = arith.addf %add3A_330, %get3A_332 : vector<16xf32>
    %add3A_334 = arith.addf %add3A_333, %gather3A : vector<16xf32>
    %swap3A_335 = arith.constant 304 : index
    %swap3A_336 = tpu.vector_load %arg20[%swap3A_335] {strides = array<i32>} : memref<512xf32, #tpu.memory_space<vmem>>, vector<16xf32>,
    tpu.vector_store %arg20[%swap3A_335], %add3A_334 {strides = array<i32>} : memref<512xf32, #tpu.memory_space<vmem>>, vector<16xf32>,
    %get3A_337 = arith.constant 320 : index
    %get3A_338 = tpu.vector_load %arg20[%get3A_337] {strides = array<i32>} : memref<512xf32, #tpu.memory_space<vmem>>, vector<16xf32>,
    %get3A_339 = arith.constant 320 : index
    %get3A_340 = tpu.vector_load %arg12[%get3A_339] {strides = array<i32>} : memref<512xf32, #tpu.memory_space<vmem>>, vector<16xf32>,
    %add3A_341 = arith.addf %get3A_338, %get3A_340 : vector<16xf32>
    %get3A_342 = arith.constant 320 : index
    %get3A_343 = tpu.vector_load %arg13[%get3A_342] {strides = array<i32>} : memref<512xf32, #tpu.memory_space<vmem>>, vector<16xf32>,
    %add3A_344 = arith.addf %add3A_341, %get3A_343 : vector<16xf32>
    %add3A_345 = arith.addf %add3A_344, %gather3A : vector<16xf32>
    %swap3A_346 = arith.constant 320 : index
    %swap3A_347 = tpu.vector_load %arg20[%swap3A_346] {strides = array<i32>} : memref<512xf32, #tpu.memory_space<vmem>>, vector<16xf32>,
    tpu.vector_store %arg20[%swap3A_346], %add3A_345 {strides = array<i32>} : memref<512xf32, #tpu.memory_space<vmem>>, vector<16xf32>,
    %get3A_348 = arith.constant 336 : index
    %get3A_349 = tpu.vector_load %arg20[%get3A_348] {strides = array<i32>} : memref<512xf32, #tpu.memory_space<vmem>>, vector<16xf32>,
    %get3A_350 = arith.constant 336 : index
    %get3A_351 = tpu.vector_load %arg12[%get3A_350] {strides = array<i32>} : memref<512xf32, #tpu.memory_space<vmem>>, vector<16xf32>,
    %add3A_352 = arith.addf %get3A_349, %get3A_351 : vector<16xf32>
    %get3A_353 = arith.constant 336 : index
    %get3A_354 = tpu.vector_load %arg13[%get3A_353] {strides = array<i32>} : memref<512xf32, #tpu.memory_space<vmem>>, vector<16xf32>,
    %add3A_355 = arith.addf %add3A_352, %get3A_354 : vector<16xf32>
    %add3A_356 = arith.addf %add3A_355, %gather3A : vector<16xf32>
    %swap3A_357 = arith.constant 336 : index
    %swap3A_358 = tpu.vector_load %arg20[%swap3A_357] {strides = array<i32>} : memref<512xf32, #tpu.memory_space<vmem>>, vector<16xf32>,
    tpu.vector_store %arg20[%swap3A_357], %add3A_356 {strides = array<i32>} : memref<512xf32, #tpu.memory_space<vmem>>, vector<16xf32>,
    %get3A_359 = arith.constant 352 : index
    %get3A_360 = tpu.vector_load %arg20[%get3A_359] {strides = array<i32>} : memref<512xf32, #tpu.memory_space<vmem>>, vector<16xf32>,
    %get3A_361 = arith.constant 352 : index
    %get3A_362 = tpu.vector_load %arg12[%get3A_361] {strides = array<i32>} : memref<512xf32, #tpu.memory_space<vmem>>, vector<16xf32>,
    %add3A_363 = arith.addf %get3A_360, %get3A_362 : vector<16xf32>
    %get3A_364 = arith.constant 352 : index
    %get3A_365 = tpu.vector_load %arg13[%get3A_364] {strides = array<i32>} : memref<512xf32, #tpu.memory_space<vmem>>, vector<16xf32>,
    %add3A_366 = arith.addf %add3A_363, %get3A_365 : vector<16xf32>
    %add3A_367 = arith.addf %add3A_366, %gather3A : vector<16xf32>
    %swap3A_368 = arith.constant 352 : index
    %swap3A_369 = tpu.vector_load %arg20[%swap3A_368] {strides = array<i32>} : memref<512xf32, #tpu.memory_space<vmem>>, vector<16xf32>,
    tpu.vector_store %arg20[%swap3A_368], %add3A_367 {strides = array<i32>} : memref<512xf32, #tpu.memory_space<vmem>>, vector<16xf32>,
    %get3A_370 = arith.constant 368 : index
    %get3A_371 = tpu.vector_load %arg20[%get3A_370] {strides = array<i32>} : memref<512xf32, #tpu.memory_space<vmem>>, vector<16xf32>,
    %get3A_372 = arith.constant 368 : index
    %get3A_373 = tpu.vector_load %arg12[%get3A_372] {strides = array<i32>} : memref<512xf32, #tpu.memory_space<vmem>>, vector<16xf32>,
    %add3A_374 = arith.addf %get3A_371, %get3A_373 : vector<16xf32>
    %get3A_375 = arith.constant 368 : index
    %get3A_376 = tpu.vector_load %arg13[%get3A_375] {strides = array<i32>} : memref<512xf32, #tpu.memory_space<vmem>>, vector<16xf32>,
    %add3A_377 = arith.addf %add3A_374, %get3A_376 : vector<16xf32>
    %add3A_378 = arith.addf %add3A_377, %gather3A : vector<16xf32>
    %swap3A_379 = arith.constant 368 : index
    %swap3A_380 = tpu.vector_load %arg20[%swap3A_379] {strides = array<i32>} : memref<512xf32, #tpu.memory_space<vmem>>, vector<16xf32>,
    tpu.vector_store %arg20[%swap3A_379], %add3A_378 {strides = array<i32>} : memref<512xf32, #tpu.memory_space<vmem>>, vector<16xf32>,
    %get3A_381 = arith.constant 384 : index
    %get3A_382 = tpu.vector_load %arg20[%get3A_381] {strides = array<i32>} : memref<512xf32, #tpu.memory_space<vmem>>, vector<16xf32>,
    %get3A_383 = arith.constant 384 : index
    %get3A_384 = tpu.vector_load %arg12[%get3A_383] {strides = array<i32>} : memref<512xf32, #tpu.memory_space<vmem>>, vector<16xf32>,
    %add3A_385 = arith.addf %get3A_382, %get3A_384 : vector<16xf32>
    %get3A_386 = arith.constant 384 : index
    %get3A_387 = tpu.vector_load %arg13[%get3A_386] {strides = array<i32>} : memref<512xf32, #tpu.memory_space<vmem>>, vector<16xf32>,
    %add3A_388 = arith.addf %add3A_385, %get3A_387 : vector<16xf32>
    %add3A_389 = arith.addf %add3A_388, %gather3A : vector<16xf32>
    %swap3A_390 = arith.constant 384 : index
    %swap3A_391 = tpu.vector_load %arg20[%swap3A_390] {strides = array<i32>} : memref<512xf32, #tpu.memory_space<vmem>>, vector<16xf32>,
    tpu.vector_store %arg20[%swap3A_390], %add3A_389 {strides = array<i32>} : memref<512xf32, #tpu.memory_space<vmem>>, vector<16xf32>,
    %get3A_392 = arith.constant 400 : index
    %get3A_393 = tpu.vector_load %arg20[%get3A_392] {strides = array<i32>} : memref<512xf32, #tpu.memory_space<vmem>>, vector<16xf32>,
    %get3A_394 = arith.constant 400 : index
    %get3A_395 = tpu.vector_load %arg12[%get3A_394] {strides = array<i32>} : memref<512xf32, #tpu.memory_space<vmem>>, vector<16xf32>,
    %add3A_396 = arith.addf %get3A_393, %get3A_395 : vector<16xf32>
    %get3A_397 = arith.constant 400 : index
    %get3A_398 = tpu.vector_load %arg13[%get3A_397] {strides = array<i32>} : memref<512xf32, #tpu.memory_space<vmem>>, vector<16xf32>,
    %add3A_399 = arith.addf %add3A_396, %get3A_398 : vector<16xf32>
    %add3A_400 = arith.addf %add3A_399, %gather3A : vector<16xf32>
    %swap3A_401 = arith.constant 400 : index
    %swap3A_402 = tpu.vector_load %arg20[%swap3A_401] {strides = array<i32>} : memref<512xf32, #tpu.memory_space<vmem>>, vector<16xf32>,
    tpu.vector_store %arg20[%swap3A_401], %add3A_400 {strides = array<i32>} : memref<512xf32, #tpu.memory_space<vmem>>, vector<16xf32>,
    %get3A_403 = arith.constant 416 : index
    %get3A_404 = tpu.vector_load %arg20[%get3A_403] {strides = array<i32>} : memref<512xf32, #tpu.memory_space<vmem>>, vector<16xf32>,
    %get3A_405 = arith.constant 416 : index
    %get3A_406 = tpu.vector_load %arg12[%get3A_405] {strides = array<i32>} : memref<512xf32, #tpu.memory_space<vmem>>, vector<16xf32>,
    %add3A_407 = arith.addf %get3A_404, %get3A_406 : vector<16xf32>
    %get3A_408 = arith.constant 416 : index
    %get3A_409 = tpu.vector_load %arg13[%get3A_408] {strides = array<i32>} : memref<512xf32, #tpu.memory_space<vmem>>, vector<16xf32>,
    %add3A_410 = arith.addf %add3A_407, %get3A_409 : vector<16xf32>
    %add3A_411 = arith.addf %add3A_410, %gather3A : vector<16xf32>
    %swap3A_412 = arith.constant 416 : index
    %swap3A_413 = tpu.vector_load %arg20[%swap3A_412] {strides = array<i32>} : memref<512xf32, #tpu.memory_space<vmem>>, vector<16xf32>,
    tpu.vector_store %arg20[%swap3A_412], %add3A_411 {strides = array<i32>} : memref<512xf32, #tpu.memory_space<vmem>>, vector<16xf32>,
    %get3A_414 = arith.constant 432 : index
    %get3A_415 = tpu.vector_load %arg20[%get3A_414] {strides = array<i32>} : memref<512xf32, #tpu.memory_space<vmem>>, vector<16xf32>,
    %get3A_416 = arith.constant 432 : index
    %get3A_417 = tpu.vector_load %arg12[%get3A_416] {strides = array<i32>} : memref<512xf32, #tpu.memory_space<vmem>>, vector<16xf32>,
    %add3A_418 = arith.addf %get3A_415, %get3A_417 : vector<16xf32>
    %get3A_419 = arith.constant 432 : index
    %get3A_420 = tpu.vector_load %arg13[%get3A_419] {strides = array<i32>} : memref<512xf32, #tpu.memory_space<vmem>>, vector<16xf32>,
    %add3A_421 = arith.addf %add3A_418, %get3A_420 : vector<16xf32>
    %add3A_422 = arith.addf %add3A_421, %gather3A : vector<16xf32>
    %swap3A_423 = arith.constant 432 : index
    %swap3A_424 = tpu.vector_load %arg20[%swap3A_423] {strides = array<i32>} : memref<512xf32, #tpu.memory_space<vmem>>, vector<16xf32>,
    tpu.vector_store %arg20[%swap3A_423], %add3A_422 {strides = array<i32>} : memref<512xf32, #tpu.memory_space<vmem>>, vector<16xf32>,
    %get3A_425 = arith.constant 448 : index
    %get3A_426 = tpu.vector_load %arg20[%get3A_425] {strides = array<i32>} : memref<512xf32, #tpu.memory_space<vmem>>, vector<16xf32>,
    %get3A_427 = arith.constant 448 : index
    %get3A_428 = tpu.vector_load %arg12[%get3A_427] {strides = array<i32>} : memref<512xf32, #tpu.memory_space<vmem>>, vector<16xf32>,
    %add3A_429 = arith.addf %get3A_426, %get3A_428 : vector<16xf32>
    %get3A_430 = arith.constant 448 : index
    %get3A_431 = tpu.vector_load %arg13[%get3A_430] {strides = array<i32>} : memref<512xf32, #tpu.memory_space<vmem>>, vector<16xf32>,
    %add3A_432 = arith.addf %add3A_429, %get3A_431 : vector<16xf32>
    %add3A_433 = arith.addf %add3A_432, %gather3A : vector<16xf32>
    %swap3A_434 = arith.constant 448 : index
    %swap3A_435 = tpu.vector_load %arg20[%swap3A_434] {strides = array<i32>} : memref<512xf32, #tpu.memory_space<vmem>>, vector<16xf32>,
    tpu.vector_store %arg20[%swap3A_434], %add3A_433 {strides = array<i32>} : memref<512xf32, #tpu.memory_space<vmem>>, vector<16xf32>,
    %get3A_436 = arith.constant 464 : index
    %get3A_437 = tpu.vector_load %arg20[%get3A_436] {strides = array<i32>} : memref<512xf32, #tpu.memory_space<vmem>>, vector<16xf32>,
    %get3A_438 = arith.constant 464 : index
    %get3A_439 = tpu.vector_load %arg12[%get3A_438] {strides = array<i32>} : memref<512xf32, #tpu.memory_space<vmem>>, vector<16xf32>,
    %add3A_440 = arith.addf %get3A_437, %get3A_439 : vector<16xf32>
    %get3A_441 = arith.constant 464 : index
    %get3A_442 = tpu.vector_load %arg13[%get3A_441] {strides = array<i32>} : memref<512xf32, #tpu.memory_space<vmem>>, vector<16xf32>,
    %add3A_443 = arith.addf %add3A_440, %get3A_442 : vector<16xf32>
    %add3A_444 = arith.addf %add3A_443, %gather3A : vector<16xf32>
    %swap3A_445 = arith.constant 464 : index
    %swap3A_446 = tpu.vector_load %arg20[%swap3A_445] {strides = array<i32>} : memref<512xf32, #tpu.memory_space<vmem>>, vector<16xf32>,
    tpu.vector_store %arg20[%swap3A_445], %add3A_444 {strides = array<i32>} : memref<512xf32, #tpu.memory_space<vmem>>, vector<16xf32>,
    %get3A_447 = arith.constant 480 : index
    %get3A_448 = tpu.vector_load %arg20[%get3A_447] {strides = array<i32>} : memref<512xf32, #tpu.memory_space<vmem>>, vector<16xf32>,
    %get3A_449 = arith.constant 480 : index
    %get3A_450 = tpu.vector_load %arg12[%get3A_449] {strides = array<i32>} : memref<512xf32, #tpu.memory_space<vmem>>, vector<16xf32>,
    %add3A_451 = arith.addf %get3A_448, %get3A_450 : vector<16xf32>
    %get3A_452 = arith.constant 480 : index
    %get3A_453 = tpu.vector_load %arg13[%get3A_452] {strides = array<i32>} : memref<512xf32, #tpu.memory_space<vmem>>, vector<16xf32>,
    %add3A_454 = arith.addf %add3A_451, %get3A_453 : vector<16xf32>
    %add3A_455 = arith.addf %add3A_454, %gather3A : vector<16xf32>
    %swap3A_456 = arith.constant 480 : index
    %swap3A_457 = tpu.vector_load %arg20[%swap3A_456] {strides = array<i32>} : memref<512xf32, #tpu.memory_space<vmem>>, vector<16xf32>,
    tpu.vector_store %arg20[%swap3A_456], %add3A_455 {strides = array<i32>} : memref<512xf32, #tpu.memory_space<vmem>>, vector<16xf32>,
    %get3A_458 = arith.constant 496 : index
    %get3A_459 = tpu.vector_load %arg20[%get3A_458] {strides = array<i32>} : memref<512xf32, #tpu.memory_space<vmem>>, vector<16xf32>,
    %get3A_460 = arith.constant 496 : index
    %get3A_461 = tpu.vector_load %arg12[%get3A_460] {strides = array<i32>} : memref<512xf32, #tpu.memory_space<vmem>>, vector<16xf32>,
    %add3A_462 = arith.addf %get3A_459, %get3A_461 : vector<16xf32>
    %get3A_463 = arith.constant 496 : index
    %get3A_464 = tpu.vector_load %arg13[%get3A_463] {strides = array<i32>} : memref<512xf32, #tpu.memory_space<vmem>>, vector<16xf32>,
    %add3A_465 = arith.addf %add3A_462, %get3A_464 : vector<16xf32>
    %add3A_466 = arith.addf %add3A_465, %gather3A : vector<16xf32>
    %swap3A_467 = arith.constant 496 : index
    %swap3A_468 = tpu.vector_load %arg20[%swap3A_467] {strides = array<i32>} : memref<512xf32, #tpu.memory_space<vmem>>, vector<16xf32>,
    tpu.vector_store %arg20[%swap3A_467], %add3A_466 {strides = array<i32>} : memref<512xf32, #tpu.memory_space<vmem>>, vector<16xf32>,
    "tpu.region"() ({
      %run_scoped3A = tpu.sem_alloc : memref<!tpu.dma_semaphore, #tpu.memory_space<semaphore_mem>>
      %dma_start3A_469 = tpu.memref_slice %arg9[%mul3A_2] : memref<16384xf32, #tpu.memory_space<hbm>> -> memref<512xf32, #tpu.memory_space<hbm>>
      %dma_start3A_470 = tpu.memref_slice %arg9[%mul3A_2] : memref<16384xf32, #tpu.memory_space<hbm>> -> memref<512xf32, #tpu.memory_space<hbm>>
      tpu.enqueue_dma source(%arg20 : memref<512xf32, #tpu.memory_space<vmem>>) target(%dma_start3A_470 : memref<512xf32, #tpu.memory_space<hbm>>) target_semaphore(%run_scoped3A : memref<!tpu.dma_semaphore, #tpu.memory_space<semaphore_mem>>)
      %dma_wait3A_471 = tpu.memref_slice %arg9[%mul3A_2] : memref<16384xf32, #tpu.memory_space<hbm>> -> memref<512xf32, #tpu.memory_space<hbm>>
      %dma_wait3A_472 = tpu.memref_slice %arg9[%mul3A_2] : memref<16384xf32, #tpu.memory_space<hbm>> -> memref<512xf32, #tpu.memory_space<hbm>>
      tpu.wait_dma2 semaphore(%run_scoped3A : memref<!tpu.dma_semaphore, #tpu.memory_space<semaphore_mem>>) src(%arg20 : memref<512xf32, #tpu.memory_space<vmem>>) dst(%dma_wait3A_472 : memref<512xf32, #tpu.memory_space<hbm>>)
      tpu.yield
    }) : () -> ()
    return
  }
}

</mosaic_0001>

<sc_bundles>
// kernel: kernel.3.cloned.1.call-start
scs
__scs_entry_jumppad:
0x0: {  	(pc) =	sbr.rel $0x88, $3  }
0x1: {  	(tag) =	ssettag $0x0;
	lr =	simm.s32 $0x1  }
0x2: {  	[smem:$0x3F9A] =	sst lr;
	_ =	strace $0xD0000000  }
0x3: {  	_ = 	snop  }
0x4: {  	_ = 	snop  }
0x5: {  	_ = 	snop  }
0x6: {  	_ = 	snop  }
0x7: {  	_ = 	snop  }
__scs_overlays_trampoline_lowered:
0x8: {  	[smem:$0x3FA9] =	sst s0  }
0x9: {  	[smem:$0x3FAA] =	sst s1  }
0xa: {  	[smem:$0x3FAB] =	sst s2  }
0xb: {  	[smem:$0x3FAC] =	sst s3  }
0xc: {  	[smem:$0x3FAD] =	sst s4  }
0xd: {  	[smem:$0x3FAE] =	sst s5  }
0xe: {  	[smem:$0x3FAF] =	sst s6  }
0xf: {  	[smem:$0x3FB0] =	sst s7  }
0x10: {  	[smem:$0x3FB1] =	sst s8  }
0x11: {  	[smem:$0x3FB2] =	sst s9;
	s0 =	simm.s32 @!p0 $0x0  }
0x12: {  	s1 =	sld [smem:$0x3F98];
	s0 =	simm.s32 @p0 $0x1  }
0x13: {  	[smem:$0x3FB3] =	sst s0;
	s0 =	simm.s32 @!p1 $0x0  }
0x14: {  	s2 =	sld [smem:$0x3F97];
	s0 =	simm.s32 @p1 $0x1  }
0x15: {  	[smem:$0x3FB4] =	sst s0;
	s0 =	simm.s32 @!p2 $0x0  }
0x16: {  	s3 =	sld [smem:$0x3FDB];
	s0 =	simm.s32 @p2 $0x1  }
0x17: {  	s4 =	simm.s32 $0x1BF5;
	[smem:$0x3FB6] =	sst s0  }
0x18: {  	s0 =	sld [smem:$0x3F99];
	_ =	swait.ge [sflag:s4], $0x0  }
0x19: {  	s7 =	sld [smem:$0x3F9A]  }
0x1a: {  	s8 =	sadd.s32 $0xFFFFE003, lr  }
0x1b: {  	s9 =	sadd.s32 $0xFFFFFEF7, lr;
	s5 =	simm.s32 $0xFFFFFFFF;
	p2 =	slt.u32 s8, $0xFFFFF086  }
0x1c: {  	p1 =	slt.u32 s9, $0xF7A;
	s5 =	simm.s32 @!p2 $0x0  }
0x1d: {  	s5 =	simm.s32 @p1 $0x1;
	p0 =	seq.s32 s7, s2  }
0x1e: {  	s7 =	smul.u32 @!p0 $0xF7A, s2;
	p2 =	seq.s32 @!p0 s5, $0x0  }
0x1f: {  	s9 =	smul.u32 $0xF7A, s1;
	s8 =	simm.s32 @!p0 $0x1BF5;
	p2 =	por !p2, p0  }
0x20: {  	[sflag:s8] =	ssyncset.s32 @!p0 $0xFFFFF086;
	s6 =	sadd.s32 @!p0 s3, s7;
	s7 =	simm.s32 @!p0 $0x108  }
0x21: {  	s3 =	sadd.s32 s3, s9;
	s6 =	sadd.s32 @!p0 $0x88, s6;
	s7 =	simm.s32 @p2 $0x1082  }
0x22: {  	[simem:s7], [sflag:s8] =	dma.local @!p0 [hbm:s6], $0xF7A  }
0x23: {  	s9 =	sor.u32 $0xD0000000, s2;
	s6 =	simm.s32 $0x108;
	_ =	swait.ge @!p0 [sflag:s8], $0x0  }
0x24: {  	s3 =	sadd.s32 $0x88, s3;
	s6 =	simm.s32 @!p1 $0x1082;
	[sflag:s4] =	ssyncset.s32 $0xFFFFF086  }
0x25: {  	[simem:s6], [sflag:s4] =	dma.local [hbm:s3], $0xF7A  }
0x26: {  	[smem:$0x3F9A] =	sst s1;
	(tag) =	ssettag s2;
	_ =	strace s9  }
0x27: {  	s1 =	sld [smem:$0x3FAA]  }
0x28: {  	s2 =	sld [smem:$0x3FAB]  }
0x29: {  	s4 =	sld [smem:$0x3FAD]  }
0x2a: {  	p0 =	seq.s32 s5, $0x0;
	s5 =	sld [smem:$0x3FAE]  }
0x2b: {  	s6 =	sld [smem:$0x3FAF]  }
0x2c: {  	s7 =	sld [smem:$0x3FB0]  }
0x2d: {  	s3 =	simm.s32 $0x108;
	s8 =	sld [smem:$0x3FB1]  }
0x2e: {  	s3 =	simm.s32 @!p0 $0x1082;
	s9 =	sld [smem:$0x3FB2]  }
0x2f: {  	lr =	sadd.s32 s0, s3;
	s0 =	sld [smem:$0x3FA9]  }
0x30: {  	s3 =	sld [smem:$0x3FAC]  }
0x31: {  	[smem:$0x3FB5] =	sst s10  }
0x32: {  	s10 =	sld [smem:$0x3FB3];
	_ =	sdelay $0x3  }
0x33: {  	p0 =	seq.s32 s10, $0x1;
	s10 =	sld [smem:$0x3FB5];
	_ =	sdelay $0x3  }
0x34: {  	[smem:$0x3FB5] =	sst s10  }
0x35: {  	s10 =	sld [smem:$0x3FB4];
	_ =	sdelay $0x3  }
0x36: {  	p1 =	seq.s32 s10, $0x1;
	s10 =	sld [smem:$0x3FB5];
	_ =	sdelay $0x3  }
0x37: {  	[smem:$0x3FB5] =	sst s10  }
0x38: {  	s10 =	sld [smem:$0x3FB6]  }
0x39: {  	_ = 	snop;
	(pc) =	sbr.ind lr, $3  }
0x3a: {  	_ = 	snop  }
0x3b: {  	_ = 	snop  }
0x3c: {  	p2 =	seq.s32 s10, $0x1;
	s10 =	sld [smem:$0x3FB5]  }
0x3d: {  	_ =	shalt  }
0x3e: {  	_ =	shalt  }
0x3f: {  	_ =	shalt  }
0x40: {  	_ =	shalt  }
0x41: {  	_ =	shalt  }
0x42: {  	_ =	shalt  }
0x43: {  	_ =	shalt  }
0x44: {  	_ =	shalt  }
0x45: {  	_ =	shalt  }
0x46: {  	_ =	shalt  }
0x47: {  	_ =	shalt  }
0x48: {  	_ =	shalt  }
0x49: {  	_ =	shalt  }
0x4a: {  	_ =	shalt  }
0x4b: {  	_ =	shalt  }
0x4c: {  	_ =	shalt  }
0x4d: {  	_ =	shalt  }
0x4e: {  	_ =	shalt  }
0x4f: {  	_ =	shalt  }
0x50: {  	_ =	shalt  }
0x51: {  	_ =	shalt  }
0x52: {  	_ =	shalt  }
0x53: {  	_ =	shalt  }
0x54: {  	_ =	shalt  }
0x55: {  	_ =	shalt  }
0x56: {  	_ =	shalt  }
0x57: {  	_ =	shalt  }
0x58: {  	_ =	shalt  }
0x59: {  	_ =	shalt  }
0x5a: {  	_ =	shalt  }
0x5b: {  	_ =	shalt  }
0x5c: {  	_ =	shalt  }
0x5d: {  	_ =	shalt  }
0x5e: {  	_ =	shalt  }
0x5f: {  	_ =	shalt  }
0x60: {  	_ =	shalt  }
0x61: {  	_ =	shalt  }
0x62: {  	_ =	shalt  }
0x63: {  	_ =	shalt  }
0x64: {  	_ =	shalt  }
0x65: {  	_ =	shalt  }
0x66: {  	_ =	shalt  }
0x67: {  	_ =	shalt  }
0x68: {  	_ =	shalt  }
0x69: {  	_ =	shalt  }
0x6a: {  	_ =	shalt  }
0x6b: {  	_ =	shalt  }
0x6c: {  	_ =	shalt  }
0x6d: {  	_ =	shalt  }
0x6e: {  	_ =	shalt  }
0x6f: {  	_ =	shalt  }
0x70: {  	_ =	shalt  }
0x71: {  	_ =	shalt  }
0x72: {  	_ =	shalt  }
0x73: {  	_ =	shalt  }
0x74: {  	_ =	shalt  }
0x75: {  	_ =	shalt  }
0x76: {  	_ =	shalt  }
0x77: {  	_ =	shalt  }
0x78: {  	_ =	shalt  }
0x79: {  	_ =	shalt  }
0x7a: {  	_ =	shalt  }
0x7b: {  	_ =	shalt  }
0x7c: {  	_ =	shalt  }
0x7d: {  	_ =	shalt  }
0x7e: {  	_ =	shalt  }
0x7f: {  	_ =	shalt  }
0x80: {  	_ =	shalt  }
0x81: {  	_ =	shalt  }
0x82: {  	_ =	shalt  }
0x83: {  	_ =	shalt  }
0x84: {  	_ =	shalt  }
0x85: {  	_ =	shalt  }
0x86: {  	_ =	shalt  }
0x87: {  	_ =	shalt  }
.Lfunc_end0:
.L_simem_size_0:
called_computation_lowered:
.L_overlay_start_0:
0x88: {  	s2 =	sld [smem:$0x3FD9]  }
0x89: {  	s3 =	sld [smem:$0x3FFE];
	_ =	sdelay $0x1  }
0x8a: {  	s1 =	srdreg.scid  }
0x8b: {  	s0 =	sand.u32 $0x1, s1  }
0x8c: {  	s18 =	sshll.u32 s0, $0xA;
	s2 =	sadd.s32 s3, s2  }
0x8d: {  	s2 =	sadd.s32 s2, s18  }
0x8e: {  	[smem:$0x3FC1] =	sst s2  }
0x8f: {  	_ = 	snop  }
0x90: {  	s2 =	sld [smem:$0x3FC9]  }
0x91: {  	s19 =	sld [smem:$0x3FC8]  }
0x92: {  	s4 =	sld [smem:$0x3FC7]  }
0x93: {  	s5 =	sld [smem:$0x3FC6]  }
0x94: {  	s6 =	sld [smem:$0x3FC5]  }
0x95: {  	s7 =	sld [smem:$0x3FC4]  }
0x96: {  	s8 =	sld [smem:$0x3FC3]  }
0x97: {  	s9 =	sld [smem:$0x3FD0];
	(tm) =	ssettm $0x1  }
0x98: {  	s10 =	sld [smem:$0x3FFB];
	_ =	sdelay $0x3  }
0x99: {  	_ =	strace s10  }
0x9a: {  	s10 =	sld [smem:$0x3FFC];
	_ =	sdelay $0x3  }
0x9b: {  	_ =	strace s10  }
0x9c: {  	s10 =	sld [smem:$0x3FFD];
	_ =	sdelay $0x3  }
0x9d: {  	_ =	strace s10  }
0x9e: {  	_ =	strace $0x8FFFFFFF  }
0x9f: {  	s20 =	sld [smem:$0x3FDB];
	_ =	sdelay $0x1  }
0xa0: {  	s11 =	simm.s32 $_scs_section_size  }
0xa1: {  	s12 =	simm.s32 $_size__tile_overlayer_lowered;
	s13 =	simm.s32 $_tile_overlayer_lowered  }
0xa2: {  	s23 =	simm.s32 $0x1BFF;
	s22 =	sshll.u32 s13, $0x1;
	s10 =	sadd.s32 s11, s20  }
0xa3: {  	s14 =	simm.s32 $0x0;
	s21 =	sshll.u32 s12, $0x1;
	s12 =	sadd.s32 s22, s10  }
0xa4: {  	[timem:s14], [sflag:s23] =	dma.local [hbm:s12], s21  }
0xa5: {  	_ =	swait.ge [sflag:s23], s21  }
0xa6: {  	s11 =	ssub.s32 $0x0, s21;
	[sflag:s23] =	ssyncset.done $0x0  }
0xa7: {  	[sflag:s23] =	ssyncadd.s32 s11;
	_ =	sdelay $0x1  }
0xa8: {  	s24 =	simm.s32 $0x1B8B  }
0xa9: {  	_ =	swait.ge [sflag:s24], $0x1  }
0xaa: {  	[sflag:s24] =	ssyncset.done $0x0  }
0xab: {  	s25 =	simm.s32 $0x1B8E;
	[sflag:s24] =	ssyncadd.s32 $0xFFFFFFFF  }
0xac: {  	s26 =	simm.s32 $execute0_lowered;
	[smem:$0x3FD2] =	sst s25  }
0xad: {  	s11 =	sshll.u32 s26, $0x1;
	_ =	strace $0x80000046;
	[dreg:$0x1] =	wrdreg $0xFFFFFFFF  }
0xae: {  	s28 =	simm.s32 $_size_execute0_lowered;
	s10 =	sadd.s32 s10, s11;
	[dreg:$0x0] =	wrdreg $0x0  }
0xaf: {  	s11 =	sshll.u32 s28, $0x1;
	[dreg:$0x2] =	wrdreg s10  }
0xb0: {  	[dreg:$0x3] =	wrdreg s11  }
0xb1: {  	[dreg:$0x4] =	wrdreg $0xC0  }
0xb2: {  	_ =	task [dreg:s14], $0x5FFFF  }
0xb3: {  	[dreg:$0x1] =	wrdreg $0xFFFFFFFF  }
0xb4: {  	[dreg:$0x0] =	wrdreg $0x60  }
0xb5: {  	[dreg:$0x2] =	wrdreg s2  }
0xb6: {  	[dreg:$0x3] =	wrdreg s19  }
0xb7: {  	[dreg:$0x4] =	wrdreg s4  }
0xb8: {  	[dreg:$0x5] =	wrdreg s5  }
0xb9: {  	[dreg:$0x6] =	wrdreg s6  }
0xba: {  	[dreg:$0x7] =	wrdreg s7  }
0xbb: {  	[dreg:$0x8] =	wrdreg s8  }
0xbc: {  	[dreg:$0x9] =	wrdreg s9  }
0xbd: {  	[dreg:$0xa] =	wrdreg $0x9  }
0xbe: {  	_ =	task.clear_ibuf [dreg:s14], $0xBFFFF;
	_ =	strace $0x90000046  }
0xbf: {  	s29 =	simm.s32 $0x9;
	_ =	strace $0x80000048  }
0xc0: {  	_ =	swait.ge [sflag:s29], $0x1  }
0xc1: {  	[sflag:s29] =	ssyncadd.s32 $0xFFFFFFFF  }
0xc2: {  	_ =	strace $0x90000048  }
0xc3: {  	_ =	sfence  }
0xc4: {  	s30 =	sld [smem:$0x0];
	_ =	sdelay $0x2  }
0xc5: {  	s31 =	sshll.u32 s1, $0xD;
	s1 =	sshrl.u32 s1, $0x2  }
0xc6: {  	s3 =	sand.u32 $0x4000, s31;
	s1 =	sadd.s32 s1, s30  }
0xc7: {  	s0 =	sor.u32 s3, s0;
	s1 =	sshll.u32 s1, $0x11  }
0xc8: {  	s0 =	sor.u32 s1, s0  }
0xc9: {  	s0 =	sadd.s32 $0x8F2B, s0  }
0xca: {  	[sflag:s0] =	ssyncadd.remote.s32 $0x1  }
0xcb: {  	_ =	sfence.sel $0xFFFF  }
0xcc: {  	[dreg:$0x0] =	wrdreg $0xFFFFFFFF;
	(pc) =	sbr.abs _section_cstart, $3  }
0xcd: {  	[dreg:$0x1] =	wrdreg $0xFFFFFFFF  }
0xce: {  	_ =	task.clear_ibuf [dreg:s14], $0x2FFFF;
	_ =	strace $0x9FFFFFFF  }
0xcf: {  	(tm) =	ssettm $0x7FFFFFFF  }
tec
execute0_lowered:
.L_overlay_start_1:
0x0: {  	(tag) =	ssettag $0x1  }
0x1: {  	s0 =	rddreg [dreg:$0x0]  }
0x2: {  	s3 =	rddreg [dreg:$0x1]  }
0x3: {  	s1 =	rddreg [dreg:$0x2]  }
0x4: {  	s2 =	rddreg [dreg:$0x3]  }
0x5: {  	s4 =	rddreg [dreg:$0x7];
	s5 =	srdreg.scid  }
0x6: {  	s7 =	simm.s32 $0x0;
	s8 =	stileid.u32;
	s12 =	simm.s32 $0x4  }
0x7: {  	s13 =	simm.s32 $0x200;
	s14 =	simm.s32 $0x800;
	s17 =	simm.s32 $0x80  }
0x8: {  	v0 =	vlaneseq.u32;
	s18 =	simm.s32 $0x880;
	s19 =	simm.s32 $0x8880;
	s20 =	simm.s32 $0x4880  }
0x9: {  	s22 =	simm.s32 $0xC880;
	s23 =	simm.s32 $0x1;
	s24 =	simm.s32 $0x10880;
	v0 =	vmul.u32 $0x80, v0  }
0xa: {  	s28 =	simm.s32 $0x2;
	s30 =	simm.s32 $0x380;
	s5 =	sand.u32 $0x1, s5  }
0xb: {  	s31 =	simm.s32 $0x3;
	s8 =	sshll.u32 s8, $0x7;
	s6 =	ssub.s32 $0x2, s5;
	v1 =	vor.u32 $0x1, v0;
	v2 =	vor.u32 $0x2, v0;
	v3 =	vor.u32 $0x3, v0  }
0xc: {  	[smem:$0x7FF] =	sst s7;
	s5 =	sshll.u32 s5, $0x6;
	s9 =	sshrl.u32 s6, $0x1;
	v4 =	vor.u32 $0x4, v0;
	v5 =	vor.u32 $0x5, v0;
	v6 =	vor.u32 $0x6, v0  }
0xd: {  	_ =	strace $0x80000047;
	s5 =	sor.u32 s5, s8;
	v7 =	vor.u32 $0x7, v0;
	v8 =	vor.u32 $0x8, v0;
	v9 =	vor.u32 $0x9, v0;
	s6 =	ssub.s32 s6, s9  }
0xe: {  	v10 =	vor.u32 $0xA, v0;
	v11 =	vor.u32 $0xB, v0;
	v12 =	vor.u32 $0xC, v0;
	s8 =	sadd.s32 s0, s5;
	s9 =	sadd.s32 s3, s5;
	s10 =	sadd.s32 s4, s5  }
0xf: {  	v13 =	vor.u32 $0xD, v0;
	v14 =	vor.u32 $0xE, v0;
	v15 =	vor.u32 $0xF, v0;
	s0 =	simm.s32 $0x14880;
	s11 =	smax.u32 s6, $0x1;
	s6 =	simm.s32 $0x0  }
.LBB2_1:
0x10: {  	[tilespmem:s7], [sflag:$0x4] =	stream.linear.gather [hbm4b:s8+s7], $0x200, $0x38;
	[tilespmem:$0x14A80] =	vst v63  }
0x11: {  	_ =	swait.ge [sflag:s12], $0x200  }
0x12: {  	[sflag:s12] =	ssyncset.done $0x0  }
0x13: {  	[sflag:s12] =	ssyncadd.s32 $0xFFFFFE00  }
0x14: {  	[tilespmem:s13], [sflag:$0x4] =	stream.linear.gather [hbm4b:s9+s7], $0x200, $0x38;
	[tilespmem:$0x14A80] =	vst v63  }
0x15: {  	_ =	swait.ge [sflag:s12], $0x200  }
0x16: {  	[sflag:s12] =	ssyncset.done $0x0  }
0x17: {  	[sflag:s12] =	ssyncadd.s32 $0xFFFFFE00  }
0x18: {  	s3 =	rddreg [dreg:$0x6]  }
0x19: {  	[tilespmem:s14], [sflag:$0x4] =	stream.linear.gather [hbm4b:s3+s7], $0x80, $0x38;
	[tilespmem:$0x14A80] =	vst v63  }
0x1a: {  	_ =	swait.ge [sflag:s12], $0x80  }
0x1b: {  	[sflag:s12] =	ssyncset.done $0x0  }
0x1c: {  	[sflag:s12] =	ssyncadd.s32 $0xFFFFFF80  }
0x1d: {  	s4 =	simm.s32 $0x400;
	s16 =	rddreg [dreg:$0x4]  }
0x1e: {  	[tilespmem:s4], [sflag:$0x3] =	stream.indirect.gather [hbm4b:s16+s13], $0x1, s7, s13, $0xb8;
	[tilespmem:$0x14A80] =	vst v63  }
0x1f: {  	s25 =	simm.s32 $0x600;
	s21 =	rddreg [dreg:$0x5]  }
0x20: {  	[tilespmem:s25], [sflag:$0x3] =	stream.indirect.gather [hbm4b:s21+s13], $0x1, s13, s13, $0xb8;
	[tilespmem:$0x14A80] =	vst v63  }
0x21: {  	_ = 	snop  }
0x22: {  	[tilespmem:s18], [sflag:$0x1] =	stream.indirect.gather [hbm4b:s1+s17], $0x80, s7, s17, $0xb8;
	[tilespmem:$0x14A80] =	vst v63  }
0x23: {  	_ = 	snop  }
0x24: {  	[tilespmem:s19], [sflag:$0x1] =	stream.indirect.gather [hbm4b:s2+s17], $0x80, s13, s17, $0xb8;
	[tilespmem:$0x14A80] =	vst v63  }
0x25: {  	_ = 	snop  }
0x26: {  	[tilespmem:s20], [sflag:$0x2] =	stream.indirect.gather [hbm4b:s1+s17], $0x80, s17, s17, $0xb8;
	[tilespmem:$0x14A80] =	vst v63  }
0x27: {  	s26 =	simm.s32 $0x280  }
0x28: {  	[tilespmem:s22], [sflag:$0x2] =	stream.indirect.gather [hbm4b:s2+s17], $0x80, s26, s17, $0xb8;
	[tilespmem:$0x14A80] =	vst v63  }
0x29: {  	_ =	swait.ge [sflag:s23], $0x4000  }
0x2a: {  	[sflag:s23] =	ssyncset.done $0x0  }
0x2b: {  	[sflag:s23] =	ssyncadd.s32 $0xFFFFC000  }
0x2c: {  	_ =	swait.ge [sflag:s23], $0x4000  }
0x2d: {  	s29 =	simm.s32 $0x8900;
	s5 =	simm.s32 $0x900;
	[sflag:s23] =	ssyncset.done $0x0  }
0x2e: {  	s15 =	simm.s32 $0x0;
	s21 =	simm.s32 $0x10900;
	[sflag:s23] =	ssyncadd.s32 $0xFFFFC000  }
.LBB2_2:
0x2f: {  	v16 =	vld [tilespmem:s5+$0x0]  }
0x30: {  	v17 =	vld [tilespmem:s29+$0x0]  }
0x31: {  	v18 =	vld [tilespmem:s5+$0x10]  }
0x32: {  	v19 =	vld [tilespmem:s29+$0x10]  }
0x33: {  	v20 =	vld [tilespmem:s5+$0x20]  }
0x34: {  	v21 =	vld [tilespmem:s29+$0x20]  }
0x35: {  	v22 =	vld [tilespmem:s5+$0x30]  }
0x36: {  	v23 =	vld [tilespmem:s29+$0x30]  }
0x37: {  	v24 =	vld [tilespmem:s5+$0x40]  }
0x38: {  	v25 =	vld [tilespmem:s29+$0x40]  }
0x39: {  	v26 =	vld [tilespmem:s5+$0x50]  }
0x3a: {  	v27 =	vld [tilespmem:s29+$0x50]  }
0x3b: {  	v28 =	vld [tilespmem:s5+$0x60]  }
0x3c: {  	v29 =	vld [tilespmem:s29+$0x60]  }
0x3d: {  	v58 =	vld [tilespmem:s5+$0xFFFFFFA0];
	v16 =	vmul.f32 v17, v16;
	v17 =	vmul.f32 v19, v18  }
0x3e: {  	v18 =	vld [tilespmem:s5+$0x70]  }
0x3f: {  	v16 =	vadd.f32 v17, v16;
	v17 =	vmul.f32 v21, v20;
	v20 =	vld [tilespmem:s29+$0xFFFFFF80]  }
0x40: {  	v21 =	vld [tilespmem:s5+$0xFFFFFF90]  }
0x41: {  	v16 =	vadd.f32 v17, v16;
	v17 =	vmul.f32 v23, v22;
	v22 =	vld [tilespmem:s29+$0xFFFFFF90]  }
0x42: {  	v23 =	vld [tilespmem:s5+$0xFFFFFF80]  }
0x43: {  	v19 =	vld [tilespmem:s29+$0x70];
	v16 =	vadd.f32 v17, v16;
	v17 =	vmul.f32 v25, v24  }
0x44: {  	v59 =	vld [tilespmem:s29+$0xFFFFFFA0]  }
0x45: {  	v60 =	vld [tilespmem:s5+$0xFFFFFFB0];
	v16 =	vadd.f32 v17, v16;
	v17 =	vmul.f32 v27, v26  }
0x46: {  	v61 =	vld [tilespmem:s29+$0xFFFFFFB0];
	v21 =	vmul.f32 v22, v21  }
0x47: {  	v62 =	vld [tilespmem:s5+$0xFFFFFFC0];
	v20 =	vmul.f32 v20, v23;
	v16 =	vadd.f32 v17, v16;
	v17 =	vmul.f32 v29, v28  }
0x48: {  	v18 =	vmul.f32 v19, v18;
	v23 =	vld [tilespmem:s29+$0xFFFFFFC0]  }
0x49: {  	v19 =	vld [tilespmem:s29+$0xFFFFFFD0];
	v20 =	vadd.f32 v21, v20;
	v21 =	vmul.f32 v59, v58;
	v22 =	vadd.f32 v17, v16  }
0x4a: {  	v16 =	vld [tilespmem:s5+$0xFFFFFFD0]  }
0x4b: {  	v63 =	vmul.f32 v61, v60;
	v17 =	vld [tilespmem:s5+$0xFFFFFFE0];
	v21 =	vadd.f32 v21, v20;
	v22 =	vadd.f32 v18, v22  }
0x4c: {  	v20 =	vld [tilespmem:s29+$0xFFFFFFE0]  }
0x4d: {  	s16 =	sshll.u32 s15, $0x4;
	s25 =	simm.s32 $0x0;
	v18 =	vld [tilespmem:s5+$0xFFFFFFF0];
	v23 =	vmul.f32 v23, v62;
	[tilespmem:s21+$0x0] =	vst v22;
	v22 =	vadd.f32 v63, v21  }
0x4e: {  	s26 =	sadd.s32 $0x100, s5;
	s4 =	smov.u32 s29;
	s3 =	smov.u32 s21;
	v21 =	vld [tilespmem:s29+$0xFFFFFFF0]  }
.LBB2_3:
0x4f: {  	v24 =	vld [tilespmem:s26+$0x0];
	v22 =	vadd.f32 v23, v22;
	v16 =	vmul.f32 v19, v16;
	s4 =	sadd.s32 $0x100, s4  }
0x50: {  	v19 =	vld [tilespmem:s4+$0x0]  }
0x51: {  	v23 =	vld [tilespmem:s26+$0x10];
	v16 =	vadd.f32 v16, v22;
	v17 =	vmul.f32 v20, v17  }
0x52: {  	s25 =	sadd.s32 $0x2, s25;
	v20 =	vld [tilespmem:s4+$0x10]  }
0x53: {  	p0 =	slt.u32 s25, $0xE;
	v22 =	vld [tilespmem:s26+$0x20];
	v16 =	vadd.f32 v17, v16;
	v17 =	vmul.f32 v21, v18  }
0x54: {  	v18 =	vld [tilespmem:s4+$0x20]  }
0x55: {  	v21 =	vld [tilespmem:s26+$0x30];
	v16 =	vadd.f32 v17, v16  }
0x56: {  	v17 =	vld [tilespmem:s4+$0x30]  }
0x57: {  	v19 =	vmul.f32 v19, v24;
	v20 =	vmul.f32 v20, v23;
	v23 =	vld [tilespmem:s26+$0x40];
	[tilespmem:s3+$0xFFFFFF80] =	vst v16  }
0x58: {  	v16 =	vld [tilespmem:s4+$0x40]  }
0x59: {  	v19 =	vadd.f32 v20, v19;
	v18 =	vmul.f32 v18, v22;
	v20 =	vld [tilespmem:s26+$0x50]  }
0x5a: {  	v22 =	vld [tilespmem:s4+$0x50]  }
0x5b: {  	v18 =	vadd.f32 v18, v19;
	v17 =	vmul.f32 v17, v21;
	v19 =	vld [tilespmem:s26+$0x60]  }
0x5c: {  	v21 =	vld [tilespmem:s4+$0x60]  }
0x5d: {  	v17 =	vadd.f32 v17, v18;
	v16 =	vmul.f32 v16, v23;
	v18 =	vld [tilespmem:s26+$0x70]  }
0x5e: {  	v23 =	vld [tilespmem:s4+$0x70]  }
0x5f: {  	v24 =	vld [tilespmem:s4+$0xFFFFFF80];
	v16 =	vadd.f32 v16, v17;
	v17 =	vmul.f32 v22, v20  }
0x60: {  	v20 =	vld [tilespmem:s26+$0xFFFFFF90]  }
0x61: {  	v22 =	vld [tilespmem:s4+$0xFFFFFF90];
	v16 =	vadd.f32 v17, v16;
	v17 =	vmul.f32 v21, v19  }
0x62: {  	v19 =	vld [tilespmem:s26+$0xFFFFFF80]  }
0x63: {  	v21 =	vld [tilespmem:s26+$0xFFFFFFA0];
	v16 =	vadd.f32 v17, v16;
	v17 =	vmul.f32 v23, v18  }
0x64: {  	v18 =	vld [tilespmem:s4+$0xFFFFFFA0]  }
0x65: {  	v23 =	vld [tilespmem:s26+$0xFFFFFFB0];
	v16 =	vadd.f32 v17, v16  }
0x66: {  	s3 =	sadd.s32 $0x100, s3;
	v17 =	vmul.f32 v22, v20;
	v20 =	vld [tilespmem:s4+$0xFFFFFFB0]  }
0x67: {  	v19 =	vmul.f32 v24, v19;
	v24 =	vld [tilespmem:s26+$0xFFFFFFC0];
	[tilespmem:s3+$0x0] =	vst v16  }
0x68: {  	v25 =	vld [tilespmem:s4+$0xFFFFFFC0]  }
0x69: {  	v17 =	vadd.f32 v17, v19;
	v18 =	vmul.f32 v18, v21;
	v16 =	vld [tilespmem:s26+$0xFFFFFFD0]  }
.Ltmp0:
0x6a: {  	v19 =	vld [tilespmem:s4+$0xFFFFFFD0];
	(pc) =	sbr.rel @p0 .LBB2_3-.Ltmp0, $4  }
0x6b: {  	v18 =	vadd.f32 v18, v17;
	v21 =	vmul.f32 v20, v23;
	v17 =	vld [tilespmem:s26+$0xFFFFFFE0]  }
0x6c: {  	v20 =	vld [tilespmem:s4+$0xFFFFFFE0]  }
0x6d: {  	v22 =	vadd.f32 v21, v18;
	v23 =	vmul.f32 v25, v24;
	v18 =	vld [tilespmem:s26+$0xFFFFFFF0]  }
0x6e: {  	s26 =	sadd.s32 $0x100, s26;
	v21 =	vld [tilespmem:s4+$0xFFFFFFF0]  }
0x6f: {  	v22 =	vadd.f32 v23, v22;
	v16 =	vmul.f32 v19, v16;
	_ =	sdelay $0x1  }
0x70: {  	v16 =	vadd.f32 v16, v22;
	v17 =	vmul.f32 v20, v17  }
0x71: {  	s4 =	sshll.u32 s15, $0xB  }
0x72: {  	v51 =	vor.u32 s4, v0;
	v16 =	vadd.f32 v17, v16;
	v17 =	vmul.f32 v21, v18  }
0x73: {  	v52 =	vor.u32 s4, v1  }
0x74: {  	v53 =	vor.u32 s4, v3;
	v16 =	vadd.f32 v17, v16  }
0x75: {  	v54 =	vor.u32 s4, v5  }
0x76: {  	v55 =	vor.u32 s4, v6;
	[tilespmem:s3+$0xFFFFFF80] =	vst v16  }
0x77: {  	v56 =	vor.u32 s4, v7;
	v18 =	vld.idx.msk [tilespmem:v51+s24+$0x0], $0xffff  }
0x78: {  	v24 =	vor.u32 s4, v8;
	v19 =	vld.idx.msk [tilespmem:v52+s24+$0x0], $0xffff  }
0x79: {  	v25 =	vor.u32 s4, v9;
	v20 =	vld.idx.msk [tilespmem:v53+s24+$0x0], $0xffff  }
0x7a: {  	v26 =	vor.u32 s4, v10;
	v21 =	vld.idx.msk [tilespmem:v54+s24+$0x0], $0xffff  }
0x7b: {  	v27 =	vor.u32 s4, v11;
	v22 =	vld.idx.msk [tilespmem:v55+s24+$0x0], $0xffff  }
0x7c: {  	v28 =	vor.u32 s4, v12;
	v23 =	vld.idx.msk [tilespmem:v56+s24+$0x0], $0xffff  }
0x7d: {  	v29 =	vor.u32 s4, v13;
	v24 =	vld.idx.msk [tilespmem:v24+s24+$0x0], $0xffff  }
0x7e: {  	v30 =	vor.u32 s4, v14;
	v25 =	vld.idx.msk [tilespmem:v25+s24+$0x0], $0xffff  }
0x7f: {  	v31 =	vor.u32 s4, v15;
	v26 =	vld.idx.msk [tilespmem:v26+s24+$0x0], $0xffff  }
0x80: {  	v17 =	vor.u32 s4, v2;
	v27 =	vld.idx.msk [tilespmem:v27+s24+$0x0], $0xffff  }
0x81: {  	v16 =	vor.u32 s4, v4;
	v28 =	vld.idx.msk [tilespmem:v28+s24+$0x0], $0xffff  }
0x82: {  	v29 =	vld.idx.msk [tilespmem:v29+s24+$0x0], $0xffff  }
0x83: {  	v30 =	vld.idx.msk [tilespmem:v30+s24+$0x0], $0xffff  }
0x84: {  	v31 =	vld.idx.msk [tilespmem:v31+s24+$0x0], $0xffff  }
0x85: {  	v17 =	vld.idx.msk [tilespmem:v17+s24+$0x0], $0xffff  }
0x86: {  	v16 =	vld.idx.msk [tilespmem:v16+s24+$0x0], $0xffff;
	_ =	sdelay $0x1  }
0x87: {  	v18 =	vadd.f32 v19, v18;
	v57 =	vadd.f32 v23, v22  }
0x88: {  	v58 =	vadd.f32 v25, v24;
	v59 =	vadd.f32 v27, v26  }
0x89: {  	v60 =	vadd.f32 v29, v28;
	v61 =	vadd.f32 v31, v30  }
0x8a: {  	v17 =	vadd.f32 v20, v17;
	v16 =	vadd.f32 v21, v16  }
0x8b: {  	v62 =	vadd.f32 v59, v58;
	v63 =	vadd.f32 v61, v60  }
0x8c: {  	s15 =	sadd.s32 $0x1, s15;
	v17 =	vadd.f32 v17, v18;
	v16 =	vadd.f32 v57, v16  }
0x8d: {  	p0 =	sne.s32 s15, $0x8  }
.Ltmp1:
0x8e: {  	v16 =	vadd.f32 v16, v17;
	v17 =	vadd.f32 v63, v62;
	(pc) =	sbr.rel @p0 .LBB2_2-.Ltmp1, $3  }
0x8f: {  	_ = 	snop  }
0x90: {  	v16 =	vadd.f32 v17, v16;
	_ =	sdelay $0x1  }
0x91: {  	s21 =	sadd.s32 $0x800, s21;
	s29 =	sadd.s32 $0x800, s29;
	s5 =	sadd.s32 $0x800, s5;
	[tilespmem:s16+$0x14880] =	vst v16  }
0x92: {  	s3 =	simm.s32 $0x100  }
0x93: {  	[tilespmem:s18], [sflag:$0x1] =	stream.indirect.gather [hbm4b:s1+s17], $0x80, s3, s17, $0xb8;
	[tilespmem:$0x14A80] =	vst v63  }
0x94: {  	s29 =	simm.s32 $0x300  }
0x95: {  	[tilespmem:s19], [sflag:$0x1] =	stream.indirect.gather [hbm4b:s2+s17], $0x80, s29, s17, $0xb8;
	[tilespmem:$0x14A80] =	vst v63  }
0x96: {  	_ =	swait.ge [sflag:s28], $0x4000  }
0x97: {  	[sflag:s28] =	ssyncset.done $0x0  }
0x98: {  	[sflag:s28] =	ssyncadd.s32 $0xFFFFC000  }
0x99: {  	_ =	swait.ge [sflag:s28], $0x4000  }
0x9a: {  	s4 =	simm.s32 $0x10900;
	s5 =	simm.s32 $0xC900;
	[sflag:s28] =	ssyncset.done $0x0  }
0x9b: {  	s15 =	simm.s32 $0x4900;
	s3 =	simm.s32 $0x0;
	[sflag:s28] =	ssyncadd.s32 $0xFFFFC000  }
.LBB2_6:
0x9c: {  	v16 =	vld [tilespmem:s15+$0x0]  }
0x9d: {  	v17 =	vld [tilespmem:s5+$0x0]  }
0x9e: {  	v18 =	vld [tilespmem:s15+$0x10]  }
0x9f: {  	v19 =	vld [tilespmem:s5+$0x10]  }
0xa0: {  	v20 =	vld [tilespmem:s15+$0x20]  }
0xa1: {  	v21 =	vld [tilespmem:s5+$0x20]  }
0xa2: {  	v22 =	vld [tilespmem:s15+$0x30]  }
0xa3: {  	v23 =	vld [tilespmem:s5+$0x30]  }
0xa4: {  	v24 =	vld [tilespmem:s15+$0x40]  }
0xa5: {  	v25 =	vld [tilespmem:s5+$0x40]  }
0xa6: {  	v26 =	vld [tilespmem:s15+$0x50]  }
0xa7: {  	v27 =	vld [tilespmem:s5+$0x50]  }
0xa8: {  	v28 =	vld [tilespmem:s15+$0x60]  }
0xa9: {  	v29 =	vld [tilespmem:s5+$0x60]  }
0xaa: {  	v58 =	vld [tilespmem:s15+$0xFFFFFFA0];
	v16 =	vmul.f32 v17, v16;
	v17 =	vmul.f32 v19, v18  }
0xab: {  	v18 =	vld [tilespmem:s15+$0x70]  }
0xac: {  	v16 =	vadd.f32 v17, v16;
	v17 =	vmul.f32 v21, v20;
	v20 =	vld [tilespmem:s5+$0xFFFFFF80]  }
0xad: {  	v21 =	vld [tilespmem:s15+$0xFFFFFF90]  }
0xae: {  	v16 =	vadd.f32 v17, v16;
	v17 =	vmul.f32 v23, v22;
	v22 =	vld [tilespmem:s5+$0xFFFFFF90]  }
0xaf: {  	v23 =	vld [tilespmem:s15+$0xFFFFFF80]  }
0xb0: {  	v19 =	vld [tilespmem:s5+$0x70];
	v16 =	vadd.f32 v17, v16;
	v17 =	vmul.f32 v25, v24  }
0xb1: {  	v59 =	vld [tilespmem:s5+$0xFFFFFFA0]  }
0xb2: {  	v60 =	vld [tilespmem:s15+$0xFFFFFFB0];
	v16 =	vadd.f32 v17, v16;
	v17 =	vmul.f32 v27, v26  }
0xb3: {  	v61 =	vld [tilespmem:s5+$0xFFFFFFB0];
	v21 =	vmul.f32 v22, v21  }
0xb4: {  	v62 =	vld [tilespmem:s15+$0xFFFFFFC0];
	v20 =	vmul.f32 v20, v23;
	v16 =	vadd.f32 v17, v16;
	v17 =	vmul.f32 v29, v28  }
0xb5: {  	v18 =	vmul.f32 v19, v18;
	v23 =	vld [tilespmem:s5+$0xFFFFFFC0]  }
0xb6: {  	v19 =	vld [tilespmem:s5+$0xFFFFFFD0];
	v20 =	vadd.f32 v21, v20;
	v21 =	vmul.f32 v59, v58;
	v22 =	vadd.f32 v17, v16  }
0xb7: {  	v16 =	vld [tilespmem:s15+$0xFFFFFFD0]  }
0xb8: {  	v63 =	vmul.f32 v61, v60;
	v17 =	vld [tilespmem:s15+$0xFFFFFFE0];
	v21 =	vadd.f32 v21, v20;
	v22 =	vadd.f32 v18, v22  }
0xb9: {  	v20 =	vld [tilespmem:s5+$0xFFFFFFE0]  }
0xba: {  	s21 =	simm.s32 $0x0;
	v18 =	vld [tilespmem:s15+$0xFFFFFFF0];
	v23 =	vmul.f32 v23, v62;
	[tilespmem:s4+$0x0] =	vst v22;
	v22 =	vadd.f32 v63, v21  }
0xbb: {  	s25 =	sadd.s32 $0x100, s15;
	s26 =	smov.u32 s5;
	s16 =	smov.u32 s4;
	v21 =	vld [tilespmem:s5+$0xFFFFFFF0]  }
.LBB2_7:
0xbc: {  	v24 =	vld [tilespmem:s25+$0x0];
	v22 =	vadd.f32 v23, v22;
	v16 =	vmul.f32 v19, v16;
	s26 =	sadd.s32 $0x100, s26  }
0xbd: {  	v19 =	vld [tilespmem:s26+$0x0]  }
0xbe: {  	v23 =	vld [tilespmem:s25+$0x10];
	v16 =	vadd.f32 v16, v22;
	v17 =	vmul.f32 v20, v17  }
0xbf: {  	s21 =	sadd.s32 $0x2, s21;
	v20 =	vld [tilespmem:s26+$0x10]  }
0xc0: {  	p0 =	slt.u32 s21, $0xE;
	v22 =	vld [tilespmem:s25+$0x20];
	v16 =	vadd.f32 v17, v16;
	v17 =	vmul.f32 v21, v18  }
0xc1: {  	v18 =	vld [tilespmem:s26+$0x20]  }
0xc2: {  	v21 =	vld [tilespmem:s25+$0x30];
	v16 =	vadd.f32 v17, v16  }
0xc3: {  	v17 =	vld [tilespmem:s26+$0x30]  }
0xc4: {  	v19 =	vmul.f32 v19, v24;
	v20 =	vmul.f32 v20, v23;
	v23 =	vld [tilespmem:s25+$0x40];
	[tilespmem:s16+$0xFFFFFF80] =	vst v16  }
0xc5: {  	v16 =	vld [tilespmem:s26+$0x40]  }
0xc6: {  	v19 =	vadd.f32 v20, v19;
	v18 =	vmul.f32 v18, v22;
	v20 =	vld [tilespmem:s25+$0x50]  }
0xc7: {  	v22 =	vld [tilespmem:s26+$0x50]  }
0xc8: {  	v18 =	vadd.f32 v18, v19;
	v17 =	vmul.f32 v17, v21;
	v19 =	vld [tilespmem:s25+$0x60]  }
0xc9: {  	v21 =	vld [tilespmem:s26+$0x60]  }
0xca: {  	v17 =	vadd.f32 v17, v18;
	v16 =	vmul.f32 v16, v23;
	v18 =	vld [tilespmem:s25+$0x70]  }
0xcb: {  	v23 =	vld [tilespmem:s26+$0x70]  }
0xcc: {  	v24 =	vld [tilespmem:s26+$0xFFFFFF80];
	v16 =	vadd.f32 v16, v17;
	v17 =	vmul.f32 v22, v20  }
0xcd: {  	v20 =	vld [tilespmem:s25+$0xFFFFFF90]  }
0xce: {  	v22 =	vld [tilespmem:s26+$0xFFFFFF90];
	v16 =	vadd.f32 v17, v16;
	v17 =	vmul.f32 v21, v19  }
0xcf: {  	v19 =	vld [tilespmem:s25+$0xFFFFFF80]  }
0xd0: {  	v21 =	vld [tilespmem:s25+$0xFFFFFFA0];
	v16 =	vadd.f32 v17, v16;
	v17 =	vmul.f32 v23, v18  }
0xd1: {  	v18 =	vld [tilespmem:s26+$0xFFFFFFA0]  }
0xd2: {  	v23 =	vld [tilespmem:s25+$0xFFFFFFB0];
	v16 =	vadd.f32 v17, v16  }
0xd3: {  	s16 =	sadd.s32 $0x100, s16;
	v17 =	vmul.f32 v22, v20;
	v20 =	vld [tilespmem:s26+$0xFFFFFFB0]  }
0xd4: {  	v19 =	vmul.f32 v24, v19;
	v24 =	vld [tilespmem:s25+$0xFFFFFFC0];
	[tilespmem:s16+$0x0] =	vst v16  }
0xd5: {  	v25 =	vld [tilespmem:s26+$0xFFFFFFC0]  }
0xd6: {  	v17 =	vadd.f32 v17, v19;
	v18 =	vmul.f32 v18, v21;
	v16 =	vld [tilespmem:s25+$0xFFFFFFD0]  }
.Ltmp2:
0xd7: {  	v19 =	vld [tilespmem:s26+$0xFFFFFFD0];
	(pc) =	sbr.rel @p0 .LBB2_7-.Ltmp2, $4  }
0xd8: {  	v18 =	vadd.f32 v18, v17;
	v21 =	vmul.f32 v20, v23;
	v17 =	vld [tilespmem:s25+$0xFFFFFFE0]  }
0xd9: {  	v20 =	vld [tilespmem:s26+$0xFFFFFFE0]  }
0xda: {  	v22 =	vadd.f32 v21, v18;
	v23 =	vmul.f32 v25, v24;
	v18 =	vld [tilespmem:s25+$0xFFFFFFF0]  }
0xdb: {  	s25 =	sadd.s32 $0x100, s25;
	v21 =	vld [tilespmem:s26+$0xFFFFFFF0]  }
0xdc: {  	v22 =	vadd.f32 v23, v22;
	v16 =	vmul.f32 v19, v16;
	_ =	sdelay $0x1  }
0xdd: {  	v16 =	vadd.f32 v16, v22;
	v17 =	vmul.f32 v20, v17  }
0xde: {  	s21 =	sshll.u32 s3, $0xB  }
0xdf: {  	v51 =	vor.u32 s21, v0;
	v16 =	vadd.f32 v17, v16;
	v17 =	vmul.f32 v21, v18  }
0xe0: {  	v52 =	vor.u32 s21, v1  }
0xe1: {  	v53 =	vor.u32 s21, v3;
	v16 =	vadd.f32 v17, v16  }
0xe2: {  	v54 =	vor.u32 s21, v5  }
0xe3: {  	v55 =	vor.u32 s21, v6;
	[tilespmem:s16+$0xFFFFFF80] =	vst v16  }
0xe4: {  	v56 =	vor.u32 s21, v7;
	v18 =	vld.idx.msk [tilespmem:v51+s24+$0x0], $0xffff  }
0xe5: {  	v24 =	vor.u32 s21, v8;
	v19 =	vld.idx.msk [tilespmem:v52+s24+$0x0], $0xffff  }
0xe6: {  	v25 =	vor.u32 s21, v9;
	v20 =	vld.idx.msk [tilespmem:v53+s24+$0x0], $0xffff  }
0xe7: {  	v26 =	vor.u32 s21, v10;
	v21 =	vld.idx.msk [tilespmem:v54+s24+$0x0], $0xffff  }
0xe8: {  	v27 =	vor.u32 s21, v11;
	v22 =	vld.idx.msk [tilespmem:v55+s24+$0x0], $0xffff  }
0xe9: {  	v28 =	vor.u32 s21, v12;
	v23 =	vld.idx.msk [tilespmem:v56+s24+$0x0], $0xffff  }
0xea: {  	v29 =	vor.u32 s21, v13;
	v24 =	vld.idx.msk [tilespmem:v24+s24+$0x0], $0xffff  }
0xeb: {  	v30 =	vor.u32 s21, v14;
	v25 =	vld.idx.msk [tilespmem:v25+s24+$0x0], $0xffff  }
0xec: {  	v31 =	vor.u32 s21, v15;
	v26 =	vld.idx.msk [tilespmem:v26+s24+$0x0], $0xffff  }
0xed: {  	v17 =	vor.u32 s21, v2;
	v27 =	vld.idx.msk [tilespmem:v27+s24+$0x0], $0xffff  }
0xee: {  	v16 =	vor.u32 s21, v4;
	v28 =	vld.idx.msk [tilespmem:v28+s24+$0x0], $0xffff  }
0xef: {  	v29 =	vld.idx.msk [tilespmem:v29+s24+$0x0], $0xffff  }
0xf0: {  	v30 =	vld.idx.msk [tilespmem:v30+s24+$0x0], $0xffff  }
0xf1: {  	v31 =	vld.idx.msk [tilespmem:v31+s24+$0x0], $0xffff  }
0xf2: {  	v17 =	vld.idx.msk [tilespmem:v17+s24+$0x0], $0xffff  }
0xf3: {  	v16 =	vld.idx.msk [tilespmem:v16+s24+$0x0], $0xffff;
	_ =	sdelay $0x1  }
0xf4: {  	v18 =	vadd.f32 v19, v18;
	v57 =	vadd.f32 v23, v22  }
0xf5: {  	v58 =	vadd.f32 v25, v24;
	v59 =	vadd.f32 v27, v26  }
0xf6: {  	v60 =	vadd.f32 v29, v28;
	v61 =	vadd.f32 v31, v30  }
0xf7: {  	v17 =	vadd.f32 v20, v17;
	v16 =	vadd.f32 v21, v16  }
0xf8: {  	v62 =	vadd.f32 v59, v58;
	v63 =	vadd.f32 v61, v60  }
0xf9: {  	s29 =	sshll.u32 s3, $0x4;
	s3 =	sadd.s32 $0x1, s3;
	v17 =	vadd.f32 v17, v18;
	v16 =	vadd.f32 v57, v16  }
0xfa: {  	p0 =	sne.s32 s3, $0x8  }
.Ltmp3:
0xfb: {  	v16 =	vadd.f32 v16, v17;
	v17 =	vadd.f32 v63, v62;
	(pc) =	sbr.rel @p0 .LBB2_6-.Ltmp3, $4  }
0xfc: {  	_ = 	snop  }
0xfd: {  	v16 =	vadd.f32 v17, v16  }
0xfe: {  	s16 =	sand.u32 $0x3FFFFFF0, s29  }
0xff: {  	s4 =	sadd.s32 $0x800, s4;
	s5 =	sadd.s32 $0x800, s5;
	s15 =	sadd.s32 $0x800, s15;
	[tilespmem:s16+$0x14900] =	vst v16  }
0x100: {  	s3 =	simm.s32 $0x180  }
0x101: {  	[tilespmem:s20], [sflag:$0x2] =	stream.indirect.gather [hbm4b:s1+s17], $0x80, s3, s17, $0xb8;
	[tilespmem:$0x14A80] =	vst v63  }
0x102: {  	_ = 	snop  }
0x103: {  	[tilespmem:s22], [sflag:$0x2] =	stream.indirect.gather [hbm4b:s2+s17], $0x80, s30, s17, $0xb8;
	[tilespmem:$0x14A80] =	vst v63  }
0x104: {  	_ =	swait.ge [sflag:s23], $0x4000  }
0x105: {  	[sflag:s23] =	ssyncset.done $0x0  }
0x106: {  	[sflag:s23] =	ssyncadd.s32 $0xFFFFC000  }
0x107: {  	_ =	swait.ge [sflag:s23], $0x4000  }
0x108: {  	s4 =	simm.s32 $0x10900;
	s5 =	simm.s32 $0x8900;
	[sflag:s23] =	ssyncset.done $0x0  }
0x109: {  	s15 =	simm.s32 $0x900;
	s3 =	simm.s32 $0x0;
	[sflag:s23] =	ssyncadd.s32 $0xFFFFC000  }
.LBB2_10:
0x10a: {  	v16 =	vld [tilespmem:s15+$0x0]  }
0x10b: {  	v17 =	vld [tilespmem:s5+$0x0]  }
0x10c: {  	v18 =	vld [tilespmem:s15+$0x10]  }
0x10d: {  	v19 =	vld [tilespmem:s5+$0x10]  }
0x10e: {  	v20 =	vld [tilespmem:s15+$0x20]  }
0x10f: {  	v21 =	vld [tilespmem:s5+$0x20]  }
0x110: {  	v22 =	vld [tilespmem:s15+$0x30]  }
0x111: {  	v23 =	vld [tilespmem:s5+$0x30]  }
0x112: {  	v24 =	vld [tilespmem:s15+$0x40]  }
0x113: {  	v25 =	vld [tilespmem:s5+$0x40]  }
0x114: {  	v26 =	vld [tilespmem:s15+$0x50]  }
0x115: {  	v27 =	vld [tilespmem:s5+$0x50]  }
0x116: {  	v28 =	vld [tilespmem:s15+$0x60]  }
0x117: {  	v29 =	vld [tilespmem:s5+$0x60]  }
0x118: {  	v58 =	vld [tilespmem:s15+$0xFFFFFFA0];
	v16 =	vmul.f32 v17, v16;
	v17 =	vmul.f32 v19, v18  }
0x119: {  	v18 =	vld [tilespmem:s15+$0x70]  }
0x11a: {  	v16 =	vadd.f32 v17, v16;
	v17 =	vmul.f32 v21, v20;
	v20 =	vld [tilespmem:s5+$0xFFFFFF80]  }
0x11b: {  	v21 =	vld [tilespmem:s15+$0xFFFFFF90]  }
0x11c: {  	v16 =	vadd.f32 v17, v16;
	v17 =	vmul.f32 v23, v22;
	v22 =	vld [tilespmem:s5+$0xFFFFFF90]  }
0x11d: {  	v23 =	vld [tilespmem:s15+$0xFFFFFF80]  }
0x11e: {  	v19 =	vld [tilespmem:s5+$0x70];
	v16 =	vadd.f32 v17, v16;
	v17 =	vmul.f32 v25, v24  }
0x11f: {  	v59 =	vld [tilespmem:s5+$0xFFFFFFA0]  }
0x120: {  	v60 =	vld [tilespmem:s15+$0xFFFFFFB0];
	v16 =	vadd.f32 v17, v16;
	v17 =	vmul.f32 v27, v26  }
0x121: {  	v61 =	vld [tilespmem:s5+$0xFFFFFFB0];
	v21 =	vmul.f32 v22, v21  }
0x122: {  	v62 =	vld [tilespmem:s15+$0xFFFFFFC0];
	v20 =	vmul.f32 v20, v23;
	v16 =	vadd.f32 v17, v16;
	v17 =	vmul.f32 v29, v28  }
0x123: {  	v18 =	vmul.f32 v19, v18;
	v23 =	vld [tilespmem:s5+$0xFFFFFFC0]  }
0x124: {  	v19 =	vld [tilespmem:s5+$0xFFFFFFD0];
	v20 =	vadd.f32 v21, v20;
	v21 =	vmul.f32 v59, v58;
	v22 =	vadd.f32 v17, v16  }
0x125: {  	v16 =	vld [tilespmem:s15+$0xFFFFFFD0]  }
0x126: {  	v63 =	vmul.f32 v61, v60;
	v17 =	vld [tilespmem:s15+$0xFFFFFFE0];
	v21 =	vadd.f32 v21, v20;
	v22 =	vadd.f32 v18, v22  }
0x127: {  	v20 =	vld [tilespmem:s5+$0xFFFFFFE0]  }
0x128: {  	s21 =	simm.s32 $0x0;
	v18 =	vld [tilespmem:s15+$0xFFFFFFF0];
	v23 =	vmul.f32 v23, v62;
	[tilespmem:s4+$0x0] =	vst v22;
	v22 =	vadd.f32 v63, v21  }
0x129: {  	s25 =	sadd.s32 $0x100, s15;
	s26 =	smov.u32 s5;
	s16 =	smov.u32 s4;
	v21 =	vld [tilespmem:s5+$0xFFFFFFF0]  }
.LBB2_11:
0x12a: {  	v24 =	vld [tilespmem:s25+$0x0];
	v22 =	vadd.f32 v23, v22;
	v16 =	vmul.f32 v19, v16;
	s26 =	sadd.s32 $0x100, s26  }
0x12b: {  	v19 =	vld [tilespmem:s26+$0x0]  }
0x12c: {  	v23 =	vld [tilespmem:s25+$0x10];
	v16 =	vadd.f32 v16, v22;
	v17 =	vmul.f32 v20, v17  }
0x12d: {  	s21 =	sadd.s32 $0x2, s21;
	v20 =	vld [tilespmem:s26+$0x10]  }
0x12e: {  	p0 =	slt.u32 s21, $0xE;
	v22 =	vld [tilespmem:s25+$0x20];
	v16 =	vadd.f32 v17, v16;
	v17 =	vmul.f32 v21, v18  }
0x12f: {  	v18 =	vld [tilespmem:s26+$0x20]  }
0x130: {  	v21 =	vld [tilespmem:s25+$0x30];
	v16 =	vadd.f32 v17, v16  }
0x131: {  	v17 =	vld [tilespmem:s26+$0x30]  }
0x132: {  	v19 =	vmul.f32 v19, v24;
	v20 =	vmul.f32 v20, v23;
	v23 =	vld [tilespmem:s25+$0x40];
	[tilespmem:s16+$0xFFFFFF80] =	vst v16  }
0x133: {  	v16 =	vld [tilespmem:s26+$0x40]  }
0x134: {  	v19 =	vadd.f32 v20, v19;
	v18 =	vmul.f32 v18, v22;
	v20 =	vld [tilespmem:s25+$0x50]  }
0x135: {  	v22 =	vld [tilespmem:s26+$0x50]  }
0x136: {  	v18 =	vadd.f32 v18, v19;
	v17 =	vmul.f32 v17, v21;
	v19 =	vld [tilespmem:s25+$0x60]  }
0x137: {  	v21 =	vld [tilespmem:s26+$0x60]  }
0x138: {  	v17 =	vadd.f32 v17, v18;
	v16 =	vmul.f32 v16, v23;
	v18 =	vld [tilespmem:s25+$0x70]  }
0x139: {  	v23 =	vld [tilespmem:s26+$0x70]  }
0x13a: {  	v24 =	vld [tilespmem:s26+$0xFFFFFF80];
	v16 =	vadd.f32 v16, v17;
	v17 =	vmul.f32 v22, v20  }
0x13b: {  	v20 =	vld [tilespmem:s25+$0xFFFFFF90]  }
0x13c: {  	v22 =	vld [tilespmem:s26+$0xFFFFFF90];
	v16 =	vadd.f32 v17, v16;
	v17 =	vmul.f32 v21, v19  }
0x13d: {  	v19 =	vld [tilespmem:s25+$0xFFFFFF80]  }
0x13e: {  	v21 =	vld [tilespmem:s25+$0xFFFFFFA0];
	v16 =	vadd.f32 v17, v16;
	v17 =	vmul.f32 v23, v18  }
0x13f: {  	v18 =	vld [tilespmem:s26+$0xFFFFFFA0]  }
0x140: {  	v23 =	vld [tilespmem:s25+$0xFFFFFFB0];
	v16 =	vadd.f32 v17, v16  }
0x141: {  	s16 =	sadd.s32 $0x100, s16;
	v17 =	vmul.f32 v22, v20;
	v20 =	vld [tilespmem:s26+$0xFFFFFFB0]  }
0x142: {  	v19 =	vmul.f32 v24, v19;
	v24 =	vld [tilespmem:s25+$0xFFFFFFC0];
	[tilespmem:s16+$0x0] =	vst v16  }
0x143: {  	v25 =	vld [tilespmem:s26+$0xFFFFFFC0]  }
0x144: {  	v17 =	vadd.f32 v17, v19;
	v18 =	vmul.f32 v18, v21;
	v16 =	vld [tilespmem:s25+$0xFFFFFFD0]  }
.Ltmp4:
0x145: {  	v19 =	vld [tilespmem:s26+$0xFFFFFFD0];
	(pc) =	sbr.rel @p0 .LBB2_11-.Ltmp4, $4  }
0x146: {  	v18 =	vadd.f32 v18, v17;
	v21 =	vmul.f32 v20, v23;
	v17 =	vld [tilespmem:s25+$0xFFFFFFE0]  }
0x147: {  	v20 =	vld [tilespmem:s26+$0xFFFFFFE0]  }
0x148: {  	v22 =	vadd.f32 v21, v18;
	v23 =	vmul.f32 v25, v24;
	v18 =	vld [tilespmem:s25+$0xFFFFFFF0]  }
0x149: {  	s25 =	sadd.s32 $0x100, s25;
	v21 =	vld [tilespmem:s26+$0xFFFFFFF0]  }
0x14a: {  	v22 =	vadd.f32 v23, v22;
	v16 =	vmul.f32 v19, v16;
	_ =	sdelay $0x1  }
0x14b: {  	v16 =	vadd.f32 v16, v22;
	v17 =	vmul.f32 v20, v17  }
0x14c: {  	s21 =	sshll.u32 s3, $0xB  }
0x14d: {  	v51 =	vor.u32 s21, v0;
	v16 =	vadd.f32 v17, v16;
	v17 =	vmul.f32 v21, v18  }
0x14e: {  	v52 =	vor.u32 s21, v1  }
0x14f: {  	v53 =	vor.u32 s21, v3;
	v16 =	vadd.f32 v17, v16  }
0x150: {  	v54 =	vor.u32 s21, v5  }
0x151: {  	v55 =	vor.u32 s21, v6;
	[tilespmem:s16+$0xFFFFFF80] =	vst v16  }
0x152: {  	v56 =	vor.u32 s21, v7;
	v18 =	vld.idx.msk [tilespmem:v51+s24+$0x0], $0xffff  }
0x153: {  	v24 =	vor.u32 s21, v8;
	v19 =	vld.idx.msk [tilespmem:v52+s24+$0x0], $0xffff  }
0x154: {  	v25 =	vor.u32 s21, v9;
	v20 =	vld.idx.msk [tilespmem:v53+s24+$0x0], $0xffff  }
0x155: {  	v26 =	vor.u32 s21, v10;
	v21 =	vld.idx.msk [tilespmem:v54+s24+$0x0], $0xffff  }
0x156: {  	v27 =	vor.u32 s21, v11;
	v22 =	vld.idx.msk [tilespmem:v55+s24+$0x0], $0xffff  }
0x157: {  	v28 =	vor.u32 s21, v12;
	v23 =	vld.idx.msk [tilespmem:v56+s24+$0x0], $0xffff  }
0x158: {  	v29 =	vor.u32 s21, v13;
	v24 =	vld.idx.msk [tilespmem:v24+s24+$0x0], $0xffff  }
0x159: {  	v30 =	vor.u32 s21, v14;
	v25 =	vld.idx.msk [tilespmem:v25+s24+$0x0], $0xffff  }
0x15a: {  	v31 =	vor.u32 s21, v15;
	v26 =	vld.idx.msk [tilespmem:v26+s24+$0x0], $0xffff  }
0x15b: {  	v17 =	vor.u32 s21, v2;
	v27 =	vld.idx.msk [tilespmem:v27+s24+$0x0], $0xffff  }
0x15c: {  	v16 =	vor.u32 s21, v4;
	v28 =	vld.idx.msk [tilespmem:v28+s24+$0x0], $0xffff  }
0x15d: {  	v29 =	vld.idx.msk [tilespmem:v29+s24+$0x0], $0xffff  }
0x15e: {  	v30 =	vld.idx.msk [tilespmem:v30+s24+$0x0], $0xffff  }
0x15f: {  	v31 =	vld.idx.msk [tilespmem:v31+s24+$0x0], $0xffff  }
0x160: {  	v17 =	vld.idx.msk [tilespmem:v17+s24+$0x0], $0xffff  }
0x161: {  	v16 =	vld.idx.msk [tilespmem:v16+s24+$0x0], $0xffff;
	_ =	sdelay $0x1  }
0x162: {  	v18 =	vadd.f32 v19, v18;
	v57 =	vadd.f32 v23, v22  }
0x163: {  	v58 =	vadd.f32 v25, v24;
	v59 =	vadd.f32 v27, v26  }
0x164: {  	v60 =	vadd.f32 v29, v28;
	v61 =	vadd.f32 v31, v30  }
0x165: {  	v17 =	vadd.f32 v20, v17;
	v16 =	vadd.f32 v21, v16  }
0x166: {  	v62 =	vadd.f32 v59, v58;
	v63 =	vadd.f32 v61, v60  }
0x167: {  	s29 =	sshll.u32 s3, $0x4;
	s3 =	sadd.s32 $0x1, s3;
	v17 =	vadd.f32 v17, v18;
	v16 =	vadd.f32 v57, v16  }
0x168: {  	p0 =	sne.s32 s3, $0x8  }
.Ltmp5:
0x169: {  	v16 =	vadd.f32 v16, v17;
	v17 =	vadd.f32 v63, v62;
	(pc) =	sbr.rel @p0 .LBB2_10-.Ltmp5, $4  }
0x16a: {  	_ = 	snop  }
0x16b: {  	v16 =	vadd.f32 v17, v16  }
0x16c: {  	s16 =	sand.u32 $0x3FFFFFF0, s29  }
0x16d: {  	s4 =	sadd.s32 $0x800, s4;
	s5 =	sadd.s32 $0x800, s5;
	s15 =	sadd.s32 $0x800, s15;
	[tilespmem:s16+$0x14980] =	vst v16  }
0x16e: {  	_ =	swait.ge [sflag:s28], $0x4000  }
0x16f: {  	[sflag:s28] =	ssyncset.done $0x0  }
0x170: {  	[sflag:s28] =	ssyncadd.s32 $0xFFFFC000  }
0x171: {  	_ =	swait.ge [sflag:s28], $0x4000  }
0x172: {  	s3 =	simm.s32 $0x0;
	s4 =	simm.s32 $0x10900;
	[sflag:s28] =	ssyncset.done $0x0  }
0x173: {  	s5 =	simm.s32 $0xC900;
	s15 =	simm.s32 $0x4900;
	[sflag:s28] =	ssyncadd.s32 $0xFFFFC000  }
.LBB2_14:
0x174: {  	v16 =	vld [tilespmem:s15+$0x0]  }
0x175: {  	v17 =	vld [tilespmem:s5+$0x0]  }
0x176: {  	v18 =	vld [tilespmem:s15+$0x10]  }
0x177: {  	v19 =	vld [tilespmem:s5+$0x10]  }
0x178: {  	v20 =	vld [tilespmem:s15+$0x20]  }
0x179: {  	v21 =	vld [tilespmem:s5+$0x20]  }
0x17a: {  	v22 =	vld [tilespmem:s15+$0x30]  }
0x17b: {  	v23 =	vld [tilespmem:s5+$0x30]  }
0x17c: {  	v24 =	vld [tilespmem:s15+$0x40]  }
0x17d: {  	v25 =	vld [tilespmem:s5+$0x40]  }
0x17e: {  	v26 =	vld [tilespmem:s15+$0x50]  }
0x17f: {  	v27 =	vld [tilespmem:s5+$0x50]  }
0x180: {  	v28 =	vld [tilespmem:s15+$0x60]  }
0x181: {  	v29 =	vld [tilespmem:s5+$0x60]  }
0x182: {  	v58 =	vld [tilespmem:s15+$0xFFFFFFA0];
	v16 =	vmul.f32 v17, v16;
	v17 =	vmul.f32 v19, v18  }
0x183: {  	v18 =	vld [tilespmem:s15+$0x70]  }
0x184: {  	v16 =	vadd.f32 v17, v16;
	v17 =	vmul.f32 v21, v20;
	v20 =	vld [tilespmem:s5+$0xFFFFFF80]  }
0x185: {  	v21 =	vld [tilespmem:s15+$0xFFFFFF90]  }
0x186: {  	v16 =	vadd.f32 v17, v16;
	v17 =	vmul.f32 v23, v22;
	v22 =	vld [tilespmem:s5+$0xFFFFFF90]  }
0x187: {  	v23 =	vld [tilespmem:s15+$0xFFFFFF80]  }
0x188: {  	v19 =	vld [tilespmem:s5+$0x70];
	v16 =	vadd.f32 v17, v16;
	v17 =	vmul.f32 v25, v24  }
0x189: {  	v59 =	vld [tilespmem:s5+$0xFFFFFFA0]  }
0x18a: {  	v60 =	vld [tilespmem:s15+$0xFFFFFFB0];
	v16 =	vadd.f32 v17, v16;
	v17 =	vmul.f32 v27, v26  }
0x18b: {  	v61 =	vld [tilespmem:s5+$0xFFFFFFB0];
	v21 =	vmul.f32 v22, v21  }
0x18c: {  	v62 =	vld [tilespmem:s15+$0xFFFFFFC0];
	v20 =	vmul.f32 v20, v23;
	v16 =	vadd.f32 v17, v16;
	v17 =	vmul.f32 v29, v28  }
0x18d: {  	v18 =	vmul.f32 v19, v18;
	v23 =	vld [tilespmem:s5+$0xFFFFFFC0]  }
0x18e: {  	v19 =	vld [tilespmem:s5+$0xFFFFFFD0];
	v20 =	vadd.f32 v21, v20;
	v21 =	vmul.f32 v59, v58;
	v22 =	vadd.f32 v17, v16  }
0x18f: {  	v16 =	vld [tilespmem:s15+$0xFFFFFFD0]  }
0x190: {  	v63 =	vmul.f32 v61, v60;
	v17 =	vld [tilespmem:s15+$0xFFFFFFE0];
	v21 =	vadd.f32 v21, v20;
	v22 =	vadd.f32 v18, v22  }
0x191: {  	v20 =	vld [tilespmem:s5+$0xFFFFFFE0]  }
0x192: {  	s21 =	simm.s32 $0x0;
	v18 =	vld [tilespmem:s15+$0xFFFFFFF0];
	v23 =	vmul.f32 v23, v62;
	[tilespmem:s4+$0x0] =	vst v22;
	v22 =	vadd.f32 v63, v21  }
0x193: {  	s25 =	sadd.s32 $0x100, s15;
	s26 =	smov.u32 s5;
	s16 =	smov.u32 s4;
	v21 =	vld [tilespmem:s5+$0xFFFFFFF0]  }
.LBB2_15:
0x194: {  	v24 =	vld [tilespmem:s25+$0x0];
	v22 =	vadd.f32 v23, v22;
	v16 =	vmul.f32 v19, v16;
	s26 =	sadd.s32 $0x100, s26  }
0x195: {  	v19 =	vld [tilespmem:s26+$0x0]  }
0x196: {  	v23 =	vld [tilespmem:s25+$0x10];
	v16 =	vadd.f32 v16, v22;
	v17 =	vmul.f32 v20, v17  }
0x197: {  	s21 =	sadd.s32 $0x2, s21;
	v20 =	vld [tilespmem:s26+$0x10]  }
0x198: {  	p0 =	slt.u32 s21, $0xE;
	v22 =	vld [tilespmem:s25+$0x20];
	v16 =	vadd.f32 v17, v16;
	v17 =	vmul.f32 v21, v18  }
0x199: {  	v18 =	vld [tilespmem:s26+$0x20]  }
0x19a: {  	v21 =	vld [tilespmem:s25+$0x30];
	v16 =	vadd.f32 v17, v16  }
0x19b: {  	v17 =	vld [tilespmem:s26+$0x30]  }
0x19c: {  	v19 =	vmul.f32 v19, v24;
	v20 =	vmul.f32 v20, v23;
	v23 =	vld [tilespmem:s25+$0x40];
	[tilespmem:s16+$0xFFFFFF80] =	vst v16  }
0x19d: {  	v16 =	vld [tilespmem:s26+$0x40]  }
0x19e: {  	v19 =	vadd.f32 v20, v19;
	v18 =	vmul.f32 v18, v22;
	v20 =	vld [tilespmem:s25+$0x50]  }
0x19f: {  	v22 =	vld [tilespmem:s26+$0x50]  }
0x1a0: {  	v18 =	vadd.f32 v18, v19;
	v17 =	vmul.f32 v17, v21;
	v19 =	vld [tilespmem:s25+$0x60]  }
0x1a1: {  	v21 =	vld [tilespmem:s26+$0x60]  }
0x1a2: {  	v17 =	vadd.f32 v17, v18;
	v16 =	vmul.f32 v16, v23;
	v18 =	vld [tilespmem:s25+$0x70]  }
0x1a3: {  	v23 =	vld [tilespmem:s26+$0x70]  }
0x1a4: {  	v24 =	vld [tilespmem:s26+$0xFFFFFF80];
	v16 =	vadd.f32 v16, v17;
	v17 =	vmul.f32 v22, v20  }
0x1a5: {  	v20 =	vld [tilespmem:s25+$0xFFFFFF90]  }
0x1a6: {  	v22 =	vld [tilespmem:s26+$0xFFFFFF90];
	v16 =	vadd.f32 v17, v16;
	v17 =	vmul.f32 v21, v19  }
0x1a7: {  	v19 =	vld [tilespmem:s25+$0xFFFFFF80]  }
0x1a8: {  	v21 =	vld [tilespmem:s25+$0xFFFFFFA0];
	v16 =	vadd.f32 v17, v16;
	v17 =	vmul.f32 v23, v18  }
0x1a9: {  	v18 =	vld [tilespmem:s26+$0xFFFFFFA0]  }
0x1aa: {  	v23 =	vld [tilespmem:s25+$0xFFFFFFB0];
	v16 =	vadd.f32 v17, v16  }
0x1ab: {  	s16 =	sadd.s32 $0x100, s16;
	v17 =	vmul.f32 v22, v20;
	v20 =	vld [tilespmem:s26+$0xFFFFFFB0]  }
0x1ac: {  	v19 =	vmul.f32 v24, v19;
	v24 =	vld [tilespmem:s25+$0xFFFFFFC0];
	[tilespmem:s16+$0x0] =	vst v16  }
0x1ad: {  	v25 =	vld [tilespmem:s26+$0xFFFFFFC0]  }
0x1ae: {  	v17 =	vadd.f32 v17, v19;
	v18 =	vmul.f32 v18, v21;
	v16 =	vld [tilespmem:s25+$0xFFFFFFD0]  }
.Ltmp6:
0x1af: {  	v19 =	vld [tilespmem:s26+$0xFFFFFFD0];
	(pc) =	sbr.rel @p0 .LBB2_15-.Ltmp6, $4  }
0x1b0: {  	v18 =	vadd.f32 v18, v17;
	v21 =	vmul.f32 v20, v23;
	v17 =	vld [tilespmem:s25+$0xFFFFFFE0]  }
0x1b1: {  	v20 =	vld [tilespmem:s26+$0xFFFFFFE0]  }
0x1b2: {  	v22 =	vadd.f32 v21, v18;
	v23 =	vmul.f32 v25, v24;
	v18 =	vld [tilespmem:s25+$0xFFFFFFF0]  }
0x1b3: {  	s25 =	sadd.s32 $0x100, s25;
	v21 =	vld [tilespmem:s26+$0xFFFFFFF0]  }
0x1b4: {  	v22 =	vadd.f32 v23, v22;
	v16 =	vmul.f32 v19, v16;
	_ =	sdelay $0x1  }
0x1b5: {  	v16 =	vadd.f32 v16, v22;
	v17 =	vmul.f32 v20, v17  }
0x1b6: {  	s21 =	sshll.u32 s3, $0xB  }
0x1b7: {  	v51 =	vor.u32 s21, v0;
	v16 =	vadd.f32 v17, v16;
	v17 =	vmul.f32 v21, v18  }
0x1b8: {  	v52 =	vor.u32 s21, v1  }
0x1b9: {  	v53 =	vor.u32 s21, v3;
	v16 =	vadd.f32 v17, v16  }
0x1ba: {  	v54 =	vor.u32 s21, v5  }
0x1bb: {  	v55 =	vor.u32 s21, v6;
	[tilespmem:s16+$0xFFFFFF80] =	vst v16  }
0x1bc: {  	v56 =	vor.u32 s21, v7;
	v18 =	vld.idx.msk [tilespmem:v51+s24+$0x0], $0xffff  }
0x1bd: {  	v24 =	vor.u32 s21, v8;
	v19 =	vld.idx.msk [tilespmem:v52+s24+$0x0], $0xffff  }
0x1be: {  	v25 =	vor.u32 s21, v9;
	v20 =	vld.idx.msk [tilespmem:v53+s24+$0x0], $0xffff  }
0x1bf: {  	v26 =	vor.u32 s21, v10;
	v21 =	vld.idx.msk [tilespmem:v54+s24+$0x0], $0xffff  }
0x1c0: {  	v27 =	vor.u32 s21, v11;
	v22 =	vld.idx.msk [tilespmem:v55+s24+$0x0], $0xffff  }
0x1c1: {  	v28 =	vor.u32 s21, v12;
	v23 =	vld.idx.msk [tilespmem:v56+s24+$0x0], $0xffff  }
0x1c2: {  	v29 =	vor.u32 s21, v13;
	v24 =	vld.idx.msk [tilespmem:v24+s24+$0x0], $0xffff  }
0x1c3: {  	v30 =	vor.u32 s21, v14;
	v25 =	vld.idx.msk [tilespmem:v25+s24+$0x0], $0xffff  }
0x1c4: {  	v31 =	vor.u32 s21, v15;
	v26 =	vld.idx.msk [tilespmem:v26+s24+$0x0], $0xffff  }
0x1c5: {  	v17 =	vor.u32 s21, v2;
	v27 =	vld.idx.msk [tilespmem:v27+s24+$0x0], $0xffff  }
0x1c6: {  	v16 =	vor.u32 s21, v4;
	v28 =	vld.idx.msk [tilespmem:v28+s24+$0x0], $0xffff  }
0x1c7: {  	v29 =	vld.idx.msk [tilespmem:v29+s24+$0x0], $0xffff  }
0x1c8: {  	v30 =	vld.idx.msk [tilespmem:v30+s24+$0x0], $0xffff  }
0x1c9: {  	v31 =	vld.idx.msk [tilespmem:v31+s24+$0x0], $0xffff  }
0x1ca: {  	v17 =	vld.idx.msk [tilespmem:v17+s24+$0x0], $0xffff  }
0x1cb: {  	v16 =	vld.idx.msk [tilespmem:v16+s24+$0x0], $0xffff;
	_ =	sdelay $0x1  }
0x1cc: {  	v18 =	vadd.f32 v19, v18;
	v57 =	vadd.f32 v23, v22  }
0x1cd: {  	v58 =	vadd.f32 v25, v24;
	v59 =	vadd.f32 v27, v26  }
0x1ce: {  	v60 =	vadd.f32 v29, v28;
	v61 =	vadd.f32 v31, v30  }
0x1cf: {  	v17 =	vadd.f32 v20, v17;
	v16 =	vadd.f32 v21, v16  }
0x1d0: {  	v62 =	vadd.f32 v59, v58;
	v63 =	vadd.f32 v61, v60  }
0x1d1: {  	s29 =	sshll.u32 s3, $0x4;
	s3 =	sadd.s32 $0x1, s3;
	v17 =	vadd.f32 v17, v18;
	v16 =	vadd.f32 v57, v16  }
0x1d2: {  	p0 =	sne.s32 s3, $0x8  }
.Ltmp7:
0x1d3: {  	v16 =	vadd.f32 v16, v17;
	v17 =	vadd.f32 v63, v62;
	(pc) =	sbr.rel @p0 .LBB2_14-.Ltmp7, $4  }
0x1d4: {  	_ = 	snop  }
0x1d5: {  	v16 =	vadd.f32 v17, v16  }
0x1d6: {  	s16 =	sand.u32 $0x3FFFFFF0, s29  }
0x1d7: {  	s4 =	sadd.s32 $0x800, s4;
	s5 =	sadd.s32 $0x800, s5;
	s15 =	sadd.s32 $0x800, s15;
	[tilespmem:s16+$0x14A00] =	vst v16  }
0x1d8: {  	_ =	swait.ge [sflag:s31], $0x200  }
0x1d9: {  	[sflag:s31] =	ssyncset.done $0x0  }
0x1da: {  	[sflag:s31] =	ssyncadd.s32 $0xFFFFFE00  }
0x1db: {  	_ =	swait.ge [sflag:s31], $0x200  }
0x1dc: {  	[sflag:s31] =	ssyncset.done $0x0  }
0x1dd: {  	[sflag:s31] =	ssyncadd.s32 $0xFFFFFE00  }
0x1de: {  	v16 =	vld.msk [tilespmem:s14+$0x0], $0xffff  }
0x1df: {  	v28 =	vld [tilespmem:$0x14880]  }
0x1e0: {  	v25 =	vld [tilespmem:$0x400]  }
0x1e1: {  	v17 =	vld [tilespmem:$0x600]  }
0x1e2: {  	v20 =	vld [tilespmem:$0x14890]  }
0x1e3: {  	v21 =	vld [tilespmem:$0x410]  }
0x1e4: {  	v23 =	vld [tilespmem:$0x148A0]  }
0x1e5: {  	v24 =	vld [tilespmem:$0x420]  }
0x1e6: {  	v26 =	vld [tilespmem:$0x148B0]  }
0x1e7: {  	v27 =	vld [tilespmem:$0x430]  }
0x1e8: {  	v29 =	vld [tilespmem:$0x148C0]  }
0x1e9: {  	v30 =	vld [tilespmem:$0x440]  }
0x1ea: {  	v31 =	vld [tilespmem:$0x640]  }
0x1eb: {  	v32 =	vld [tilespmem:$0x148D0]  }
0x1ec: {  	v33 =	vld [tilespmem:$0x450]  }
0x1ed: {  	v34 =	vld [tilespmem:$0x650]  }
0x1ee: {  	v35 =	vld [tilespmem:$0x148E0]  }
0x1ef: {  	v36 =	vld [tilespmem:$0x460]  }
0x1f0: {  	v37 =	vld [tilespmem:$0x660]  }
0x1f1: {  	v38 =	vld [tilespmem:$0x148F0]  }
0x1f2: {  	v39 =	vld [tilespmem:$0x470]  }
0x1f3: {  	v40 =	vld [tilespmem:$0x670]  }
0x1f4: {  	v41 =	vld [tilespmem:$0x14900]  }
0x1f5: {  	v42 =	vld [tilespmem:$0x480]  }
0x1f6: {  	v43 =	vld [tilespmem:$0x680]  }
0x1f7: {  	v44 =	vld [tilespmem:$0x14910]  }
0x1f8: {  	v45 =	vld [tilespmem:$0x490]  }
0x1f9: {  	v46 =	vld [tilespmem:$0x690]  }
0x1fa: {  	v47 =	vld [tilespmem:$0x14920]  }
0x1fb: {  	v48 =	vld [tilespmem:$0x4A0]  }
0x1fc: {  	v49 =	vld [tilespmem:$0x6A0]  }
0x1fd: {  	v50 =	vld [tilespmem:$0x14930]  }
0x1fe: {  	v51 =	vld [tilespmem:$0x4B0]  }
0x1ff: {  	v52 =	vld [tilespmem:$0x6B0]  }
0x200: {  	v53 =	vld [tilespmem:$0x14940]  }
0x201: {  	v54 =	vld [tilespmem:$0x4C0]  }
0x202: {  	v55 =	vld [tilespmem:$0x6C0]  }
0x203: {  	v56 =	vld [tilespmem:$0x14950]  }
0x204: {  	v57 =	vld [tilespmem:$0x4D0]  }
0x205: {  	v58 =	vld [tilespmem:$0x6D0]  }
0x206: {  	v59 =	vld [tilespmem:$0x14960]  }
0x207: {  	v60 =	vld [tilespmem:$0x4E0]  }
0x208: {  	v61 =	vld [tilespmem:$0x6E0]  }
0x209: {  	v62 =	vld [tilespmem:$0x14970]  }
0x20a: {  	v18 =	vld [tilespmem:$0x700]  }
0x20b: {  	v63 =	vld [tilespmem:$0x4F0]  }
0x20c: {  	v19 =	vld [tilespmem:$0x14980]  }
0x20d: {  	v22 =	vld [tilespmem:$0x14990]  }
0x20e: {  	[tilespmem:$0x1FF90] =	vst v17;
	v17 =	vld [tilespmem:$0x610]  }
0x20f: {  	[tilespmem:$0x1FFE0] =	vst v18;
	v18 =	vld [tilespmem:$0x510]  }
0x210: {  	v25 =	vadd.f32 v25, v28;
	v28 =	vld [tilespmem:$0x710]  }
0x211: {  	v20 =	vadd.f32 v21, v20;
	v21 =	vld [tilespmem:$0x149A0]  }
0x212: {  	v23 =	vadd.f32 v24, v23;
	v24 =	vld [tilespmem:$0x520]  }
0x213: {  	v26 =	vadd.f32 v27, v26;
	v27 =	vld [tilespmem:$0x720]  }
0x214: {  	v29 =	vadd.f32 v30, v29;
	v30 =	vld [tilespmem:$0x149B0]  }
0x215: {  	v32 =	vadd.f32 v33, v32;
	v33 =	vld [tilespmem:$0x530]  }
0x216: {  	[tilespmem:$0x1FFF0] =	vst v21;
	v21 =	vld [tilespmem:$0x1FF90]  }
0x217: {  	v45 =	vadd.f32 v45, v44;
	v44 =	vld [tilespmem:$0x550]  }
0x218: {  	[tilespmem:$0x1FFA0] =	vst v17;
	v17 =	vld [tilespmem:$0x620]  }
0x219: {  	v51 =	vadd.f32 v51, v50;
	v50 =	vld [tilespmem:$0x560]  }
0x21a: {  	v54 =	vadd.f32 v54, v53;
	v53 =	vld [tilespmem:$0x770]  }
0x21b: {  	v25 =	vadd.f32 v21, v25;
	v21 =	vld [tilespmem:$0x1FFA0]  }
0x21c: {  	v57 =	vadd.f32 v57, v56;
	v56 =	vld [tilespmem:$0x1FFE0]  }
0x21d: {  	[tilespmem:$0x1FFB0] =	vst v17;
	v17 =	vld [tilespmem:$0x630]  }
0x21e: {  	v32 =	vadd.f32 v34, v32;
	v34 =	vadd.f32 v39, v38;
	v38 =	vld [tilespmem:$0x540]  }
0x21f: {  	v39 =	vadd.f32 v46, v45;
	v46 =	vld [tilespmem:$0x750]  }
0x220: {  	v20 =	vadd.f32 v21, v20;
	v21 =	vld [tilespmem:$0x1FFB0]  }
0x221: {  	v45 =	vadd.f32 v55, v54;
	v54 =	vld [tilespmem:$0x14A30]  }
0x222: {  	[tilespmem:$0x1FFC0] =	vst v17;
	v17 =	vld [tilespmem:$0x6F0]  }
0x223: {  	v34 =	vadd.f32 v40, v34;
	v40 =	vld [tilespmem:$0x740]  }
0x224: {  	v18 =	vadd.f32 v18, v22;
	v22 =	vld [tilespmem:$0x570]  }
0x225: {  	v48 =	vadd.f32 v48, v47;
	v23 =	vadd.f32 v21, v23;
	v21 =	vld [tilespmem:$0x1FFC0]  }
0x226: {  	v60 =	vadd.f32 v60, v59;
	v59 =	vadd.f32 v33, v30;
	v33 =	vld [tilespmem:$0x14A20]  }
0x227: {  	v63 =	vadd.f32 v63, v62;
	v18 =	vadd.f32 v28, v18;
	[tilespmem:$0x1FFD0] =	vst v17;
	v17 =	vld [tilespmem:$0x500]  }
0x228: {  	v29 =	vadd.f32 v31, v29;
	v47 =	vadd.f32 v58, v57;
	v57 =	vld [tilespmem:$0x1FFF0]  }
0x229: {  	v28 =	vld [tilespmem:$0x14A00];
	v18 =	vadd.f32 v18, v16;
	v25 =	vadd.f32 v25, v16  }
0x22a: {  	v55 =	vld [tilespmem:$0x1FFD0];
	v26 =	vadd.f32 v21, v26;
	v21 =	vadd.f32 v36, v35  }
0x22b: {  	v20 =	vadd.f32 v20, v16;
	v23 =	vadd.f32 v23, v16;
	v35 =	vld [tilespmem:$0x730]  }
0x22c: {  	v36 =	vld [tilespmem:$0x149C0];
	v17 =	vadd.f32 v17, v19;
	v31 =	vadd.f32 v37, v21  }
0x22d: {  	v19 =	vld [tilespmem:$0x149F0];
	v21 =	vadd.f32 v42, v41;
	v41 =	vadd.f32 v49, v48  }
0x22e: {  	v42 =	vld [tilespmem:$0x149D0];
	v49 =	vadd.f32 v61, v60;
	v17 =	vadd.f32 v56, v17  }
0x22f: {  	[tilespmem:$0x14990] =	vst v18;
	v48 =	vld [tilespmem:$0x149E0];
	v58 =	vadd.f32 v26, v16;
	v60 =	vadd.f32 v29, v16  }
0x230: {  	[tilespmem:$0x14880] =	vst v25;
	v26 =	vld [tilespmem:$0x780];
	v61 =	vadd.f32 v32, v16;
	v37 =	vadd.f32 v43, v21  }
0x231: {  	[tilespmem:$0x14890] =	vst v20;
	v29 =	vld [tilespmem:$0x590];
	v43 =	vadd.f32 v52, v51;
	v51 =	vadd.f32 v55, v63  }
0x232: {  	[tilespmem:$0x148A0] =	vst v23;
	v56 =	vld [tilespmem:$0x5B0];
	v21 =	vadd.f32 v24, v57;
	v62 =	vadd.f32 v31, v16  }
0x233: {  	v52 =	vld [tilespmem:$0x760];
	[tilespmem:$0x148D0] =	vst v61;
	v57 =	vadd.f32 v45, v16;
	v61 =	vadd.f32 v49, v16  }
0x234: {  	v24 =	vld [tilespmem:$0x580];
	[tilespmem:$0x148B0] =	vst v58;
	v17 =	vadd.f32 v17, v16;
	v25 =	vadd.f32 v35, v59  }
0x235: {  	[tilespmem:$0x148C0] =	vst v60;
	v31 =	vld [tilespmem:$0x790];
	v63 =	vadd.f32 v38, v36;
	v36 =	vadd.f32 v34, v16  }
0x236: {  	v58 =	vld [tilespmem:$0x7B0];
	v19 =	vadd.f32 v22, v19;
	v59 =	vadd.f32 v47, v16;
	[tilespmem:$0x148E0] =	vst v62  }
0x237: {  	v60 =	vld [tilespmem:$0x14A40];
	v21 =	vadd.f32 v27, v21;
	v55 =	vadd.f32 v43, v16;
	[tilespmem:$0x14940] =	vst v57  }
0x238: {  	v49 =	vld [tilespmem:$0x5E0];
	[tilespmem:$0x14960] =	vst v61;
	v38 =	vadd.f32 v44, v42;
	v42 =	vadd.f32 v37, v16  }
0x239: {  	v34 =	vld [tilespmem:$0x5A0];
	[tilespmem:$0x14980] =	vst v17;
	v30 =	vadd.f32 v40, v63;
	v44 =	vadd.f32 v39, v16  }
0x23a: {  	v35 =	vld [tilespmem:$0x7A0];
	[tilespmem:$0x148F0] =	vst v36;
	v50 =	vadd.f32 v50, v48;
	v19 =	vadd.f32 v53, v19  }
0x23b: {  	v27 =	vld [tilespmem:$0x14A10];
	[tilespmem:$0x14950] =	vst v59;
	v63 =	vadd.f32 v51, v16;
	v47 =	vadd.f32 v25, v16  }
0x23c: {  	v62 =	vld [tilespmem:$0x5C0];
	v22 =	vadd.f32 v56, v54;
	[tilespmem:$0x14930] =	vst v55;
	v17 =	vadd.f32 v21, v16  }
0x23d: {  	v40 =	vld [tilespmem:$0x7C0];
	v32 =	vadd.f32 v46, v38;
	[tilespmem:$0x14900] =	vst v42;
	v46 =	vadd.f32 v41, v16  }
0x23e: {  	v48 =	vld [tilespmem:$0x14A60];
	[tilespmem:$0x14910] =	vst v44;
	v36 =	vadd.f32 v52, v50;
	v24 =	vadd.f32 v24, v28  }
0x23f: {  	v51 =	vld [tilespmem:$0x14A70];
	[tilespmem:$0x14970] =	vst v63;
	v22 =	vadd.f32 v58, v22;
	v53 =	vadd.f32 v19, v16  }
0x240: {  	v42 =	vld [tilespmem:$0x14A50];
	v45 =	vadd.f32 v34, v33;
	[tilespmem:$0x149A0] =	vst v17;
	v17 =	vadd.f32 v30, v16  }
0x241: {  	v44 =	vld [tilespmem:$0x5D0];
	[tilespmem:$0x149B0] =	vst v47;
	v27 =	vadd.f32 v29, v27;
	v41 =	vadd.f32 v26, v24  }
0x242: {  	v52 =	vld [tilespmem:$0x5F0];
	[tilespmem:$0x14920] =	vst v46;
	v50 =	vadd.f32 v32, v16;
	v28 =	vadd.f32 v62, v60  }
0x243: {  	v46 =	vld [tilespmem:$0x7D0];
	v62 =	vadd.f32 v22, v16;
	[tilespmem:$0x149C0] =	vst v17;
	v17 =	vadd.f32 v36, v16  }
0x244: {  	v55 =	vld [tilespmem:$0x7E0];
	[tilespmem:$0x149F0] =	vst v53;
	v21 =	vadd.f32 v35, v45;
	v43 =	vadd.f32 v31, v27  }
0x245: {  	v57 =	vld [tilespmem:$0x7F0];
	v56 =	vadd.f32 v40, v28;
	[tilespmem:$0x149E0] =	vst v17;
	v17 =	vadd.f32 v41, v16  }
0x246: {  	[tilespmem:$0x149D0] =	vst v50;
	v54 =	vadd.f32 v44, v42;
	v60 =	vadd.f32 v21, v16  }
0x247: {  	v61 =	vadd.f32 v52, v51;
	[tilespmem:$0x14A00] =	vst v17;
	v17 =	vadd.f32 v49, v48  }
0x248: {  	[tilespmem:$0x14A30] =	vst v62;
	v59 =	vadd.f32 v43, v16;
	v58 =	vadd.f32 v46, v54  }
0x249: {  	v63 =	vadd.f32 v56, v16;
	[tilespmem:$0x14A20] =	vst v60;
	v17 =	vadd.f32 v55, v17  }
0x24a: {  	v19 =	vadd.f32 v57, v61;
	[tilespmem:$0x14A10] =	vst v59;
	v18 =	vadd.f32 v58, v16  }
0x24b: {  	[tilespmem:$0x14A40] =	vst v63;
	v17 =	vadd.f32 v17, v16  }
0x24c: {  	s6 =	sadd.s32 $0x1, s6;
	[tilespmem:$0x14A50] =	vst v18;
	v16 =	vadd.f32 v19, v16  }
0x24d: {  	p0 =	sne.s32 s6, s11;
	[tilespmem:$0x14A60] =	vst v17  }
.Ltmp8:
0x24e: {  	[tilespmem:$0x14A70] =	vst v16;
	(pc) =	sbr.rel @p0 .LBB2_1-.Ltmp8, $4  }
0x24f: {  	[hbm4b:s10+s7] =	stream.linear.scatter [tilespmem:s0], [sflag:$0x4], $0x200, $0x38;
	[tilespmem:$0x14A80] =	vst v63  }
0x250: {  	_ =	swait.ge [sflag:s12], $0x200  }
0x251: {  	[sflag:s12] =	ssyncset.done $0x0  }
0x252: {  	[sflag:s12] =	ssyncadd.s32 $0xFFFFFE00  }
0x253: {  	_ =	sfence.sel $0x180000  }
0x254: {  	[bflag:$0x0] =	sbarrier.arrive $0xFFFF  }
0x255: {  	_ =	strace $0x90000047  }
0x256: {  	s0 =	stileid.u32;
	[bflag:$0x2] =	sbarrier.arrive $0xFFFF  }
0x257: {  	p0 =	sne.s32 s0, $0x0;
	s0 =	rddreg [dreg:$0x8]  }
0x258: {  	s0 =	sadd.s32 @!p0 $0x100000, s0  }
0x259: {  	[sflag:s0] =	ssyncadd.tile.s32 @!p0 $0x1;
	_ =	shalt  }
.Lfunc_end2:
_tile_overlayer_lowered:
.L_overlay_start_2:
0x25a: {  	(tag) =	ssettag $0x2  }
0x25b: {  	s0 =	rddreg [dreg:$0x0];
	s2 =	stileid.u32  }
0x25c: {  	s1 =	rddreg [dreg:$0x1];
	p0 =	sne.s32 s2, $0x0  }
0x25d: {  	s3 =	rddreg [dreg:$0x2];
	[bflag:$0x3] =	sbarrier.arrive $0xFFFF;
	s2 =	simm.s32 @!p0 $0x1C04  }
0x25e: {  	[timem:s3], [sflag:s2] =	dma.local @!p0 [hbm:s0], s1  }
0x25f: {  	s0 =	simm.s32 @!p0 $0x4  }
0x260: {  	_ =	swait.ge @!p0 [sflag:s0], s1  }
0x261: {  	s1 =	ssub.s32 @!p0 $0x0, s1;
	[sflag:s0] =	ssyncset.done @!p0 $0x0  }
0x262: {  	[sflag:s0] =	ssyncadd.s32 @!p0 s1  }
0x263: {  	[bflag:$0x3] =	sbarrier.arrive $0xFFFF  }
0x264: {  	_ =	shalt  }

</sc_bundles>
